<compile_context>
chip_gen: v7x
topology: tpu7x:2x2x1
jax: 0.10.2.dev20260603
libtpu: 0.0.44.dev20260713+nightly
codegen_flags: <defaults>
</compile_context>

<pallas_src>
import jax
import jax.numpy as jnp
from jax.experimental import pallas as pl

B = 16
D = 8732
C = 21
TOPK = 200
CONF_THRESH = 0.01
NMS_THRESH = 0.45


def _softmax_kernel(x_ref, o_ref):
    x = x_ref[...]
    m = jnp.max(x, axis=-1, keepdims=True)
    e = jnp.exp(x - m)
    o_ref[...] = e / jnp.sum(e, axis=-1, keepdims=True)


def _softmax(x):
    return pl.pallas_call(
        _softmax_kernel,
        out_shape=jax.ShapeDtypeStruct(x.shape, x.dtype),
        grid=(B,),
        in_specs=[pl.BlockSpec((1, D, C), lambda b: (b, 0, 0))],
        out_specs=pl.BlockSpec((1, D, C), lambda b: (b, 0, 0)),
    )(x)


def _decode(loc, dbox):
    cxcy = dbox[:, :2] + loc[:, :2] * 0.1 * dbox[:, :2]
    wh = dbox[:, 2:] * jnp.exp(loc[:, 2:] * 0.2)
    mins = cxcy - wh / 2.0
    maxs = mins + wh
    return jnp.concatenate([mins, maxs], axis=1)


def _nms_single(boxes, scores):
    top_scores, idx = jax.lax.top_k(scores, TOPK)
    tb = jnp.take(boxes, idx, axis=0)
    valid = top_scores > CONF_THRESH
    x1, y1, x2, y2 = tb[:, 0], tb[:, 1], tb[:, 2], tb[:, 3]
    area = (x2 - x1) * (y2 - y1)
    xx1 = jnp.maximum(x1[:, None], x1[None, :])
    yy1 = jnp.maximum(y1[:, None], y1[None, :])
    xx2 = jnp.minimum(x2[:, None], x2[None, :])
    yy2 = jnp.minimum(y2[:, None], y2[None, :])
    w = jnp.clip(xx2 - xx1, 0.0, None)
    h = jnp.clip(yy2 - yy1, 0.0, None)
    inter = w * h
    union = area[:, None] + area[None, :] - inter
    denom = jnp.where(union <= 0.0, 1.0, union)
    iou = jnp.where(union <= 0.0, 0.0, inter / denom)
    ar = jnp.arange(TOPK)

    def body(keep, i):
        earlier = keep & (ar < i)
        sup = jnp.any(earlier & (iou[i] > NMS_THRESH))
        keep = keep.at[i].set(valid[i] & jnp.logical_not(sup))
        return keep, None

    keep, _ = jax.lax.scan(body, jnp.zeros((TOPK,), dtype=bool), ar)
    order = jnp.argsort(jnp.where(keep, ar, ar + TOPK))
    ks = jnp.where(keep, top_scores, 0.0)[order]
    kb = jnp.where(keep[:, None], tb, 0.0)[order]
    return jnp.concatenate([ks[:, None], kb], axis=1)


def _per_image(loc, cp, loc2, cp2, dbox):
    db = _decode(loc, dbox)
    db2 = _decode(loc2, dbox)
    db2f = jnp.stack([1.0 - db2[:, 2], db2[:, 1], 1.0 - db2[:, 0], db2[:, 3]], axis=1)
    all_boxes = jnp.concatenate([db, db2f], axis=0)

    def per_class(sc, sc2):
        s = jnp.concatenate([
            jnp.where(sc > CONF_THRESH, sc, 0.0),
            jnp.where(sc2 > CONF_THRESH, sc2, 0.0),
        ], axis=0)
        return _nms_single(all_boxes, s)

    cls_out = jax.vmap(per_class, in_axes=1, out_axes=0)(cp, cp2)
    return cls_out.at[0].set(0.0)


def kernel(loc_data, conf_data, loc_data2, conf_data2, dbox_list):
    cp = _softmax(conf_data)
    cp2 = _softmax(conf_data2)
    out = jax.vmap(lambda l, c, l2, c2: _per_image(l, c, l2, c2, dbox_list))(
        loc_data, cp, loc_data2, cp2
    )
    return out

# --- scband reference (transcript-rebuilt; emitter-appended) ---
"""Pipeline reference for scband-detect-flip-77653008711791 (READ-ONLY COPY).

The authoritative reference and input builder live on the scoring server;
editing this copy changes nothing except your own understanding.
"""

import jax, jax.numpy as jnp
import numpy as np
from itertools import product
from math import sqrt

B = 16
D = 8732
C = 21
TOPK = 200
CONF_THRESH = 0.01
NMS_THRESH = 0.45


def _make_dbox():
    feature_maps = [38, 19, 10, 5, 3, 1]
    steps = [8, 16, 32, 64, 100, 300]
    min_sizes = [30, 60, 111, 162, 213, 264]
    max_sizes = [60, 111, 162, 213, 264, 315]
    aspect_ratios = [[2], [2, 3], [2, 3], [2, 3], [2], [2]]
    image_size = 300
    mean = []
    for k, f in enumerate(feature_maps):
        for i, j in product(range(f), repeat=2):
            f_k = image_size / steps[k]
            cx = (j + 0.5) / f_k
            cy = (i + 0.5) / f_k
            s_k = min_sizes[k] / image_size
            mean += [cx, cy, s_k, s_k]
            s_k_prime = sqrt(s_k * (max_sizes[k] / image_size))
            mean += [cx, cy, s_k_prime, s_k_prime]
            for ar in aspect_ratios[k]:
                mean += [cx, cy, s_k * sqrt(ar), s_k / sqrt(ar)]
                mean += [cx, cy, s_k / sqrt(ar), s_k * sqrt(ar)]
    out = np.clip(np.asarray(mean, dtype=np.float32).reshape(-1, 4), 0.0, 1.0)
    return jnp.asarray(out)


def setup_inputs(seed: int = 0) -> dict:
    key = jax.random.key(seed)
    k1, k2, k3, k4 = jax.random.split(key, 4)
    return {
        "loc_data": jax.random.normal(k1, (B, D, 4), jnp.float32),
        "conf_data": jax.random.normal(k2, (B, D, C), jnp.float32),
        "loc_data2": jax.random.normal(k3, (B, D, 4), jnp.float32),
        "conf_data2": jax.random.normal(k4, (B, D, C), jnp.float32),
        "dbox_list": _make_dbox(),
    }


def _decode(loc, dbox):
    cxcy = dbox[:, :2] + loc[:, :2] * 0.1 * dbox[:, :2]
    wh = dbox[:, 2:] * jnp.exp(loc[:, 2:] * 0.2)
    mins = cxcy - wh / 2.0
    maxs = mins + wh
    return jnp.concatenate([mins, maxs], axis=1)


def _nms_single(boxes, scores):
    # boxes: [N,4] xyxy, scores: [N] (already zeroed below conf_thresh)
    top_scores, idx = jax.lax.top_k(scores, TOPK)
    tb = jnp.take(boxes, idx, axis=0)
    valid = top_scores > CONF_THRESH
    x1, y1, x2, y2 = tb[:, 0], tb[:, 1], tb[:, 2], tb[:, 3]
    area = (x2 - x1) * (y2 - y1)
    xx1 = jnp.maximum(x1[:, None], x1[None, :])
    yy1 = jnp.maximum(y1[:, None], y1[None, :])
    xx2 = jnp.minimum(x2[:, None], x2[None, :])
    yy2 = jnp.minimum(y2[:, None], y2[None, :])
    w = jnp.clip(xx2 - xx1, 0.0, None)
    h = jnp.clip(yy2 - yy1, 0.0, None)
    inter = w * h
    union = area[:, None] + area[None, :] - inter
    denom = jnp.where(union <= 0.0, 1.0, union)
    iou = jnp.where(union <= 0.0, 0.0, inter / denom)
    ar = jnp.arange(TOPK)

    def body(keep, i):
        earlier = keep & (ar < i)
        sup = jnp.any(earlier & (iou[i] > NMS_THRESH))
        keep = keep.at[i].set(valid[i] & jnp.logical_not(sup))
        return keep, None

    keep, _ = jax.lax.scan(body, jnp.zeros((TOPK,), dtype=bool), ar)
    # pack kept detections to the front, preserving descending-score order
    order = jnp.argsort(jnp.where(keep, ar, ar + TOPK))
    ks = jnp.where(keep, top_scores, 0.0)[order]
    kb = jnp.where(keep[:, None], tb, 0.0)[order]
    return jnp.concatenate([ks[:, None], kb], axis=1)  # [TOPK, 5]


def _per_image(loc, cp, loc2, cp2, dbox):
    db = _decode(loc, dbox)
    db2 = _decode(loc2, dbox)
    # test-time horizontal flip: undo the flip on the second set of boxes
    db2f = jnp.stack([1.0 - db2[:, 2], db2[:, 1], 1.0 - db2[:, 0], db2[:, 3]], axis=1)
    all_boxes = jnp.concatenate([db, db2f], axis=0)  # [2D, 4]

    def per_class(sc, sc2):
        s = jnp.concatenate([
            jnp.where(sc > CONF_THRESH, sc, 0.0),
            jnp.where(sc2 > CONF_THRESH, sc2, 0.0),
        ], axis=0)
        return _nms_single(all_boxes, s)

    cls_out = jax.vmap(per_class, in_axes=1, out_axes=0)(cp, cp2)  # [C, TOPK, 5]
    return cls_out.at[0].set(0.0)  # background class skipped


def reference(loc_data, conf_data, loc_data2, conf_data2, dbox_list):
    cp = jax.nn.softmax(conf_data, axis=-1)
    cp2 = jax.nn.softmax(conf_data2, axis=-1)
    out = jax.vmap(lambda l, c, l2, c2: _per_image(l, c, l2, c2, dbox_list))(
        loc_data, cp, loc_data2, cp2
    )
    return out  # [B, C, TOPK, 5]

if __name__ == "__main__":
    import jax
    _d = setup_inputs()
    print(jax.jit(kernel)(*tuple(_d.values())))

</pallas_src>

<mosaic_0001>
module attributes {stable_mosaic.version = 14 : i64} {
  func.func @_softmax_kernel(%arg0: i32, %arg1: memref<1x8732x21xf32, #tpu.memory_space<vmem>>, %arg2: memref<1x8732x21xf32, #tpu.memory_space<vmem>>) attributes {dimension_semantics = [#tpu.dimension_semantics<arbitrary>], iteration_bounds = array<i64: 16>, scalar_prefetch = 0 : i64, scratch_operands = 0 : i64, tpu.core_type = #tpu.core_type<tc>, window_params = [{transform_indices = @transform_0, window_bounds = array<i64: 1, 8732, 21>}, {transform_indices = @transform_1, window_bounds = array<i64: 1, 8732, 21>}]} {
    %get3A = arith.constant 0 : index
    %get3A_0 = arith.constant 0 : index
    %get3A_1 = arith.constant 0 : index
    %get3A_2 = vector.load %arg1[%get3A, %get3A_0, %get3A_1] : memref<1x8732x21xf32, #tpu.memory_space<vmem>>, vector<1x8732x21xf32>
    %reduce_max3A = arith.constant dense<0xFF800000> : vector<1x8732xf32>
    %reduce_max3A_3 = vector.multi_reduction <maximumf>, %get3A_2, %reduce_max3A [2] : vector<1x8732x21xf32> to vector<1x8732xf32>
    %broadcast_in_dim3A = vector.shape_cast %reduce_max3A_3 : vector<1x8732xf32> to vector<1x8732x1xf32>
    %sub3A = vector.broadcast %broadcast_in_dim3A : vector<1x8732x1xf32> to vector<1x8732x21xf32>
    %sub3A_4 = arith.subf %get3A_2, %sub3A : vector<1x8732x21xf32>
    %exp3A = math.exp %sub3A_4 : vector<1x8732x21xf32>
    %reduce_sum3A = arith.constant dense<0.000000e+00> : vector<1x8732xf32>
    %reduce_sum3A_5 = vector.multi_reduction <add>, %exp3A, %reduce_sum3A [2] : vector<1x8732x21xf32> to vector<1x8732xf32>
    %broadcast_in_dim3A_6 = vector.shape_cast %reduce_sum3A_5 : vector<1x8732xf32> to vector<1x8732x1xf32>
    %div3A = vector.broadcast %broadcast_in_dim3A_6 : vector<1x8732x1xf32> to vector<1x8732x21xf32>
    %div3A_7 = arith.divf %exp3A, %div3A : vector<1x8732x21xf32>
    %swap3A = arith.constant 0 : index
    %swap3A_8 = arith.constant 0 : index
    %swap3A_9 = arith.constant 0 : index
    %swap3A_10 = vector.load %arg2[%swap3A, %swap3A_8, %swap3A_9] : memref<1x8732x21xf32, #tpu.memory_space<vmem>>, vector<1x8732x21xf32>
    tpu.vector_store %arg2[%swap3A, %swap3A_8, %swap3A_9], %div3A_7 {strides = array<i32>} : memref<1x8732x21xf32, #tpu.memory_space<vmem>>, vector<1x8732x21xf32>,
    return
  }
  func.func @transform_0(%arg0: i32) -> (i32, i32, i32) {
    %c0_i32 = arith.constant 0 : i32
    %c0_i32_0 = arith.constant 0 : i32
    %c0_i32_1 = arith.constant 0 : i32
    return %arg0, %c0_i32, %c0_i32_0 : i32, i32, i32
  }
  func.func @transform_1(%arg0: i32) -> (i32, i32, i32) {
    %c0_i32 = arith.constant 0 : i32
    %c0_i32_0 = arith.constant 0 : i32
    %c0_i32_1 = arith.constant 0 : i32
    return %arg0, %c0_i32, %c0_i32_0 : i32, i32, i32
  }
}

</mosaic_0001>

<sc_bundles>
// kernel: gather_offload_async_start.1
scs
__scs_entry_jumppad:
0x0: {  	(pc) =	sbr.rel $0x88, $3  }
0x1: {  	(tag) =	ssettag $0x0;
	lr =	simm.s32 $0x1  }
0x2: {  	[smem:$0x3F9C] =	sst lr;
	_ =	strace $0xD0000000  }
0x3: {  	_ = 	snop  }
0x4: {  	_ = 	snop  }
0x5: {  	_ = 	snop  }
0x6: {  	_ = 	snop  }
0x7: {  	_ = 	snop  }
__scs_overlays_trampoline_lowered:
0x8: {  	[smem:$0x3FAB] =	sst s0  }
0x9: {  	[smem:$0x3FAC] =	sst s1  }
0xa: {  	[smem:$0x3FAD] =	sst s2  }
0xb: {  	[smem:$0x3FAE] =	sst s3  }
0xc: {  	[smem:$0x3FAF] =	sst s4  }
0xd: {  	[smem:$0x3FB0] =	sst s5  }
0xe: {  	[smem:$0x3FB1] =	sst s6  }
0xf: {  	[smem:$0x3FB2] =	sst s7  }
0x10: {  	[smem:$0x3FB3] =	sst s8  }
0x11: {  	[smem:$0x3FB4] =	sst s9;
	s0 =	simm.s32 @!p0 $0x0  }
0x12: {  	s1 =	sld [smem:$0x3F9A];
	s0 =	simm.s32 @p0 $0x1  }
0x13: {  	[smem:$0x3FB5] =	sst s0;
	s0 =	simm.s32 @!p1 $0x0  }
0x14: {  	s2 =	sld [smem:$0x3F99];
	s0 =	simm.s32 @p1 $0x1  }
0x15: {  	[smem:$0x3FB6] =	sst s0;
	s0 =	simm.s32 @!p2 $0x0  }
0x16: {  	s3 =	sld [smem:$0x3FDB];
	s0 =	simm.s32 @p2 $0x1  }
0x17: {  	s4 =	simm.s32 $0x1BF5;
	[smem:$0x3FB8] =	sst s0  }
0x18: {  	s0 =	sld [smem:$0x3F9B];
	_ =	swait.ge [sflag:s4], $0x0  }
0x19: {  	s7 =	sld [smem:$0x3F9C]  }
0x1a: {  	s8 =	sadd.s32 $0xFFFFE003, lr  }
0x1b: {  	s9 =	sadd.s32 $0xFFFFFEF7, lr;
	s5 =	simm.s32 $0xFFFFFFFF;
	p2 =	slt.u32 s8, $0xFFFFF086  }
0x1c: {  	p1 =	slt.u32 s9, $0xF7A;
	s5 =	simm.s32 @!p2 $0x0  }
0x1d: {  	s5 =	simm.s32 @p1 $0x1;
	p0 =	seq.s32 s7, s2  }
0x1e: {  	s7 =	smul.u32 @!p0 $0xF7A, s2;
	p2 =	seq.s32 @!p0 s5, $0x0  }
0x1f: {  	s9 =	smul.u32 $0xF7A, s1;
	s8 =	simm.s32 @!p0 $0x1BF5;
	p2 =	por !p2, p0  }
0x20: {  	[sflag:s8] =	ssyncset.s32 @!p0 $0xFFFFF086;
	s6 =	sadd.s32 @!p0 s3, s7;
	s7 =	simm.s32 @!p0 $0x108  }
0x21: {  	s3 =	sadd.s32 s3, s9;
	s6 =	sadd.s32 @!p0 $0x88, s6;
	s7 =	simm.s32 @p2 $0x1082  }
0x22: {  	[simem:s7], [sflag:s8] =	dma.local @!p0 [hbm:s6], $0xF7A  }
0x23: {  	s9 =	sor.u32 $0xD0000000, s2;
	s6 =	simm.s32 $0x108;
	_ =	swait.ge @!p0 [sflag:s8], $0x0  }
0x24: {  	s3 =	sadd.s32 $0x88, s3;
	s6 =	simm.s32 @!p1 $0x1082;
	[sflag:s4] =	ssyncset.s32 $0xFFFFF086  }
0x25: {  	[simem:s6], [sflag:s4] =	dma.local [hbm:s3], $0xF7A  }
0x26: {  	[smem:$0x3F9C] =	sst s1;
	(tag) =	ssettag s2;
	_ =	strace s9  }
0x27: {  	s1 =	sld [smem:$0x3FAC]  }
0x28: {  	s2 =	sld [smem:$0x3FAD]  }
0x29: {  	s4 =	sld [smem:$0x3FAF]  }
0x2a: {  	p0 =	seq.s32 s5, $0x0;
	s5 =	sld [smem:$0x3FB0]  }
0x2b: {  	s6 =	sld [smem:$0x3FB1]  }
0x2c: {  	s7 =	sld [smem:$0x3FB2]  }
0x2d: {  	s3 =	simm.s32 $0x108;
	s8 =	sld [smem:$0x3FB3]  }
0x2e: {  	s3 =	simm.s32 @!p0 $0x1082;
	s9 =	sld [smem:$0x3FB4]  }
0x2f: {  	lr =	sadd.s32 s0, s3;
	s0 =	sld [smem:$0x3FAB]  }
0x30: {  	s3 =	sld [smem:$0x3FAE]  }
0x31: {  	[smem:$0x3FB7] =	sst s10  }
0x32: {  	s10 =	sld [smem:$0x3FB5];
	_ =	sdelay $0x3  }
0x33: {  	p0 =	seq.s32 s10, $0x1;
	s10 =	sld [smem:$0x3FB7];
	_ =	sdelay $0x3  }
0x34: {  	[smem:$0x3FB7] =	sst s10  }
0x35: {  	s10 =	sld [smem:$0x3FB6];
	_ =	sdelay $0x3  }
0x36: {  	p1 =	seq.s32 s10, $0x1;
	s10 =	sld [smem:$0x3FB7];
	_ =	sdelay $0x3  }
0x37: {  	[smem:$0x3FB7] =	sst s10  }
0x38: {  	s10 =	sld [smem:$0x3FB8]  }
0x39: {  	_ = 	snop;
	(pc) =	sbr.ind lr, $3  }
0x3a: {  	_ = 	snop  }
0x3b: {  	_ = 	snop  }
0x3c: {  	p2 =	seq.s32 s10, $0x1;
	s10 =	sld [smem:$0x3FB7]  }
0x3d: {  	_ =	shalt  }
0x3e: {  	_ =	shalt  }
0x3f: {  	_ =	shalt  }
0x40: {  	_ =	shalt  }
0x41: {  	_ =	shalt  }
0x42: {  	_ =	shalt  }
0x43: {  	_ =	shalt  }
0x44: {  	_ =	shalt  }
0x45: {  	_ =	shalt  }
0x46: {  	_ =	shalt  }
0x47: {  	_ =	shalt  }
0x48: {  	_ =	shalt  }
0x49: {  	_ =	shalt  }
0x4a: {  	_ =	shalt  }
0x4b: {  	_ =	shalt  }
0x4c: {  	_ =	shalt  }
0x4d: {  	_ =	shalt  }
0x4e: {  	_ =	shalt  }
0x4f: {  	_ =	shalt  }
0x50: {  	_ =	shalt  }
0x51: {  	_ =	shalt  }
0x52: {  	_ =	shalt  }
0x53: {  	_ =	shalt  }
0x54: {  	_ =	shalt  }
0x55: {  	_ =	shalt  }
0x56: {  	_ =	shalt  }
0x57: {  	_ =	shalt  }
0x58: {  	_ =	shalt  }
0x59: {  	_ =	shalt  }
0x5a: {  	_ =	shalt  }
0x5b: {  	_ =	shalt  }
0x5c: {  	_ =	shalt  }
0x5d: {  	_ =	shalt  }
0x5e: {  	_ =	shalt  }
0x5f: {  	_ =	shalt  }
0x60: {  	_ =	shalt  }
0x61: {  	_ =	shalt  }
0x62: {  	_ =	shalt  }
0x63: {  	_ =	shalt  }
0x64: {  	_ =	shalt  }
0x65: {  	_ =	shalt  }
0x66: {  	_ =	shalt  }
0x67: {  	_ =	shalt  }
0x68: {  	_ =	shalt  }
0x69: {  	_ =	shalt  }
0x6a: {  	_ =	shalt  }
0x6b: {  	_ =	shalt  }
0x6c: {  	_ =	shalt  }
0x6d: {  	_ =	shalt  }
0x6e: {  	_ =	shalt  }
0x6f: {  	_ =	shalt  }
0x70: {  	_ =	shalt  }
0x71: {  	_ =	shalt  }
0x72: {  	_ =	shalt  }
0x73: {  	_ =	shalt  }
0x74: {  	_ =	shalt  }
0x75: {  	_ =	shalt  }
0x76: {  	_ =	shalt  }
0x77: {  	_ =	shalt  }
0x78: {  	_ =	shalt  }
0x79: {  	_ =	shalt  }
0x7a: {  	_ =	shalt  }
0x7b: {  	_ =	shalt  }
0x7c: {  	_ =	shalt  }
0x7d: {  	_ =	shalt  }
0x7e: {  	_ =	shalt  }
0x7f: {  	_ =	shalt  }
0x80: {  	_ =	shalt  }
0x81: {  	_ =	shalt  }
0x82: {  	_ =	shalt  }
0x83: {  	_ =	shalt  }
0x84: {  	_ =	shalt  }
0x85: {  	_ =	shalt  }
0x86: {  	_ =	shalt  }
0x87: {  	_ =	shalt  }
.Lfunc_end0:
.L_simem_size_0:
called_computation.1_lowered:
.L_overlay_start_0:
0x88: {  	s2 =	sld [smem:$0x3FD9]  }
0x89: {  	s3 =	sld [smem:$0x3FFE];
	_ =	sdelay $0x1  }
0x8a: {  	s1 =	srdreg.scid  }
0x8b: {  	s0 =	sand.u32 $0x1, s1  }
0x8c: {  	s17 =	sshll.u32 s0, $0xA;
	s2 =	sadd.s32 s3, s2  }
0x8d: {  	s2 =	sadd.s32 s2, s17  }
0x8e: {  	[smem:$0x3FC3] =	sst s2  }
0x8f: {  	_ = 	snop  }
0x90: {  	s2 =	sld [smem:$0x3FD0];
	(tm) =	ssettm $0x1  }
0x91: {  	s18 =	sld [smem:$0x3FFB];
	_ =	sdelay $0x3  }
0x92: {  	_ =	strace s18  }
0x93: {  	s3 =	sld [smem:$0x3FFC];
	_ =	sdelay $0x3  }
0x94: {  	_ =	strace s3  }
0x95: {  	s3 =	sld [smem:$0x3FFD];
	_ =	sdelay $0x3  }
0x96: {  	_ =	strace s3  }
0x97: {  	_ =	strace $0x8FFFFFFF  }
0x98: {  	s19 =	sld [smem:$0x3FDB];
	_ =	sdelay $0x1  }
0x99: {  	s4 =	simm.s32 $_scs_section_size  }
0x9a: {  	s5 =	simm.s32 $_size__tile_overlayer_lowered;
	s6 =	simm.s32 $_tile_overlayer_lowered  }
0x9b: {  	s22 =	simm.s32 $0x1BFF;
	s21 =	sshll.u32 s6, $0x1;
	s3 =	sadd.s32 s4, s19  }
0x9c: {  	s7 =	simm.s32 $0x0;
	s20 =	sshll.u32 s5, $0x1;
	s5 =	sadd.s32 s21, s3  }
0x9d: {  	[timem:s7], [sflag:s22] =	dma.local [hbm:s5], s20  }
0x9e: {  	_ =	swait.ge [sflag:s22], s20  }
0x9f: {  	s4 =	ssub.s32 $0x0, s20;
	[sflag:s22] =	ssyncset.done $0x0  }
0xa0: {  	[sflag:s22] =	ssyncadd.s32 s4;
	_ =	sdelay $0x1  }
0xa1: {  	s23 =	simm.s32 $0x1B8B  }
0xa2: {  	_ =	swait.ge [sflag:s23], $0x1  }
0xa3: {  	[sflag:s23] =	ssyncset.done $0x0  }
0xa4: {  	s25 =	simm.s32 $0x1B8E;
	s24 =	sld [smem:$0x3FFE];
	[sflag:s23] =	ssyncadd.s32 $0xFFFFFFFF  }
0xa5: {  	s26 =	simm.s32 $execute0_lowered;
	[smem:$0x3FD2] =	sst s25  }
0xa6: {  	s5 =	sshll.u32 s26, $0x1;
	_ =	strace $0x80000049;
	[dreg:$0x1] =	wrdreg $0xFFFFFFFF  }
0xa7: {  	s28 =	simm.s32 $_size_execute0_lowered;
	s3 =	sadd.s32 s3, s5;
	[dreg:$0x0] =	wrdreg $0x0  }
0xa8: {  	s5 =	sshll.u32 s28, $0x1;
	[dreg:$0x2] =	wrdreg s3  }
0xa9: {  	[dreg:$0x3] =	wrdreg s5  }
0xaa: {  	[dreg:$0x4] =	wrdreg $0xC0  }
0xab: {  	_ =	task [dreg:s7], $0x5FFFF  }
0xac: {  	[dreg:$0x1] =	wrdreg $0xFFFFFFFF  }
0xad: {  	[dreg:$0x0] =	wrdreg $0x60  }
0xae: {  	[dreg:$0x2] =	wrdreg s2  }
0xaf: {  	[dreg:$0x3] =	wrdreg s24  }
0xb0: {  	[dreg:$0x4] =	wrdreg $0x9  }
0xb1: {  	_ =	task.clear_ibuf [dreg:s7], $0x5FFFF;
	_ =	strace $0x90000049  }
0xb2: {  	s29 =	simm.s32 $0x9;
	_ =	strace $0x8000004B  }
0xb3: {  	_ =	swait.ge [sflag:s29], $0x1  }
0xb4: {  	[sflag:s29] =	ssyncadd.s32 $0xFFFFFFFF  }
0xb5: {  	_ =	strace $0x9000004B  }
0xb6: {  	_ =	sfence  }
0xb7: {  	s30 =	sld [smem:$0x0];
	_ =	sdelay $0x2  }
0xb8: {  	s31 =	sshll.u32 s1, $0xD;
	s1 =	sshrl.u32 s1, $0x2  }
0xb9: {  	s3 =	sand.u32 $0x4000, s31;
	s1 =	sadd.s32 s1, s30  }
0xba: {  	s0 =	sor.u32 s3, s0;
	s1 =	sshll.u32 s1, $0x11  }
0xbb: {  	s0 =	sor.u32 s1, s0  }
0xbc: {  	s0 =	sadd.s32 $0x8F2B, s0  }
0xbd: {  	[sflag:s0] =	ssyncadd.remote.s32 $0x1  }
0xbe: {  	_ =	sfence.sel $0xFFFF  }
0xbf: {  	[dreg:$0x0] =	wrdreg $0xFFFFFFFF;
	(pc) =	sbr.abs _section_cstart, $3  }
0xc0: {  	[dreg:$0x1] =	wrdreg $0xFFFFFFFF  }
0xc1: {  	_ =	task.clear_ibuf [dreg:s7], $0x2FFFF;
	_ =	strace $0x9FFFFFFF  }
0xc2: {  	(tm) =	ssettm $0x7FFFFFFF  }
0xc3: {  	_ =	shalt  }
tec
execute0_lowered:
.L_overlay_start_1:
0x0: {  	(tag) =	ssettag $0x1  }
0x1: {  	s2 =	rddreg [dreg:$0x0]  }
0x2: {  	s8 =	rddreg [dreg:$0x1]  }
0x3: {  	s0 =	rddreg [dreg:$0x2];
	s1 =	stileid.u32  }
0x4: {  	s3 =	srdreg.scid;
	_ =	strace $0x8000004A;
	s4 =	simm.s32 $0x1  }
0x5: {  	s7 =	simm.s32 $0x1;
	s9 =	simm.s32 $0x1;
	s10 =	simm.s32 $0x3  }
0x6: {  	s13 =	simm.s32 $0x0;
	s5 =	sand.u32 $0x1, s3;
	s6 =	sshll.u32 s1, $0x1  }
0x7: {  	s12 =	simm.s32 $0x0;
	s3 =	sadd.s32 $0x106C00, s8;
	s5 =	sor.u32 s6, s5  }
.Ltmp0:
0x8: {  	[sflag:s4] =	ssyncpa.u1 $0x0;
	p0 =	slt.u32 s5, $0x9;
	(pc) =	sbr.rel .LBB2_1-.Ltmp0, $4  }
0x9: {  	s6 =	simm.s32 $0x2;
	s7 =	simm.s32 @!p0 $0x0;
	p0 =	sne.s32 s5, $0x8  }
0xa: {  	[sflag:s6] =	ssyncpa.u1 $0x0;
	s5 =	smul.u32 $0x690, s5;
	s9 =	simm.s32 @!p0 $0x0  }
0xb: {  	s8 =	sadd.s32 $0x108E00, s8;
	[sflag:s10] =	ssyncpa.u1 $0x0;
	s7 =	sadd.s32 s9, s7  }
0xc: {  	vm0 =	vmmov $0xffff;
	s10 =	simm.s32 $0x0;
	s11 =	smov.u32 s5;
	s9 =	sadd.s32 $0x1, s7  }
.LBB2_4:
0xd: {  	v5 =	vand.u32 $0x7F, v4;
	v3 =	vsel vm1, $0xFFFFE800, v3;
	v6 =	vshll.u32 v2, $0x8  }
0xe: {  	vm1 =	vmmov vm2;
	v56 =	vshll.u32 v4, $0x3;
	v57 =	vshll.u32 v2, $0x7  }
0xf: {  	v58 =	vand.u32 $0xF, v1;
	v59 =	vshrl.u32 v1, $0x4;
	v60 =	vshrl.u32 v1, $0x9  }
0x10: {  	v6 =	vand.u32 $0xFFFFF800, v6;
	v3 =	vor.u32 v3, v5;
	v4 =	vand.u32 $0xFFFFFC00, v56  }
0x11: {  	v1 =	vand.u32 $0xFF, v60;
	v5 =	vmul.u32 $0x1800, v58;
	v3 =	vadd.s32 v6, v3  }
0x12: {  	v1 =	vsel vm1, $0xFFFFFFFF, v1;
	v3 =	vadd.s32 v4, v3;
	v4 =	vand.u32 $0x1F, v59  }
0x13: {  	v2 =	vand.u32 $0x380, v57;
	v62 =	vand.u32 $0x7F, v1;
	v61 =	vsel vm1, $0xFFFFFFFF, v4  }
0x14: {  	v5 =	vsel vm1, $0xFFFFE800, v5;
	v1 =	vshll.u32 v1, $0x3;
	v63 =	vshll.u32 v61, $0x8  }
0x15: {  	v2 =	vor.u32 v2, v3;
	v4 =	vor.u32 v5, v62;
	v6 =	vand.u32 $0xFFFFF800, v63  }
0x16: {  	v1 =	vand.u32 $0xFFFFFC00, v1;
	v3 =	vshll.u32 v61, $0x7;
	v4 =	vadd.s32 v6, v4  }
0x17: {  	v3 =	vand.u32 $0x380, v3;
	v1 =	vadd.s32 v1, v4  }
0x18: {  	(ifvalue) =	ssetifvalue $0x7FFFFFFF;
	s15 =	sadd.s32 $0x10, s15;
	v1 =	vor.u32 v3, v1  }
0x19: {  	[tilespmem:s15], [sflag:$0x1] =	stream.indirect_vreg.gather [hbm4b:s2+s10], $0x1, v0, vm0, $0x4038;
	[tilespmem:$0x1A40] =	vst v63  }
0x1a: {  	(ifvalue) =	ssetifvalue $0x7FFFFFFF;
	s15 =	sadd.s32 $0x10, s15  }
0x1b: {  	[tilespmem:s15], [sflag:$0x1] =	stream.indirect_vreg.gather [hbm4b:s2+s10], $0x1, v2, vm0, $0x4038;
	[tilespmem:$0x1A40] =	vst v63  }
0x1c: {  	(ifvalue) =	ssetifvalue $0x7FFFFFFF;
	s15 =	sadd.s32 $0x10, s15  }
0x1d: {  	[tilespmem:s15], [sflag:$0x1] =	stream.indirect_vreg.gather [hbm4b:s2+s10], $0x1, v1, vm0, $0x4038;
	[tilespmem:$0x1A40] =	vst v63  }
0x1e: {  	_ =	swait.ge [sflag:s4], $0x690  }
0x1f: {  	s30 =	sshrl.u32 s13, $0x3;
	[sflag:s4] =	ssyncset.done $0x0  }
0x20: {  	s31 =	sand.u32 $0x7, s13;
	s15 =	sadd.s32 s8, s30;
	[sflag:s4] =	ssyncadd.s32 $0xFFFFF970  }
0x21: {  	[hbm4b:s15+s31] =	stream.linear.scatter [tilespmem:s14], [sflag:$0x3], $0x690, $0x38;
	[tilespmem:$0x1A40] =	vst v63  }
.LBB2_5:
0x22: {  	s15 =	sadd.s32 $0xD200, s11  }
0x23: {  	p1 =	sgt.s32 s15, $0x1067F  }
0x24: {  	s15 =	smov.u32 @p1 s5;
	p1 =	sne.s32 s12, s9  }
.Ltmp1:
0x25: {  	p0 =	slt.u32 s12, $0x2;
	(pc) =	sbr.rel @!p1 .LBB2_6-.Ltmp1, $4  }
0x26: {  	s14 =	simm.s32 @!p0 $0x3  }
0x27: {  	_ =	swait.ge @!p0 [sflag:s14], $0x690  }
0x28: {  	s16 =	sadd.s32 $0x1, s12;
	s13 =	smov.u32 s11;
	[sflag:s14] =	ssyncset.done @!p0 $0x0  }
0x29: {  	s12 =	smov.u32 s16;
	s11 =	smov.u32 s15;
	[sflag:s14] =	ssyncadd.s32 @!p0 $0xFFFFF970  }
.LBB2_1:
0x2a: {  	p0 =	sge.u32 s12, s7  }
0x2b: {  	s14 =	sxor.u32 @!p0 $0x1, s12  }
0x2c: {  	s14 =	smul.u32 @!p0 $0x1A40, s14  }
0x2d: {  	s31 =	sadd.s32 $0xFFFFFFFF, s12;
	s15 =	sshrl.u32 @!p0 s11, $0x3  }
0x2e: {  	s16 =	sand.u32 @!p0 $0x7, s11;
	s15 =	sadd.s32 @!p0 s3, s15;
	s14 =	sshra.s32 @!p0 s14, $0x2  }
0x2f: {  	[tilespmem:s14], [sflag:$0x2] =	stream.linear.gather @!p0 [hbm4b:s15+s16], $0x690, $0x38;
	[tilespmem:$0x1A40] =	vst v63  }
0x30: {  	p0 =	sge.u32 s31, s7  }
.Ltmp2:
0x31: {  	_ = 	snop;
	(pc) =	sbr.rel @p0 .LBB2_5-.Ltmp2, $1  }
0x32: {  	_ =	sdelay $0x3  }
0x33: {  	s14 =	sand.u32 $0x1, s12  }
0x34: {  	_ =	swait.ge [sflag:s6], $0x690;
	p0 =	seq.s32 s14, $0x1;
	s14 =	simm.s32 $0x690  }
0x35: {  	[sflag:s6] =	ssyncset.done $0x0;
	s14 =	simm.s32 @!p0 $0x0  }
0x36: {  	[sflag:s6] =	ssyncadd.s32 $0xFFFFF970;
	(ifvalue) =	ssetifvalue $0x7FFFFFFF;
	v0 =	vld.msk [tilespmem:s14+$0x0 ss:$0x1], $0xffff;
	_ =	sdelay $0x1  }
0x37: {  	s15 =	sadd.s32 $0x10, s14  }
0x38: {  	v1 =	vld.msk [tilespmem:s15+$0x0 ss:$0x1], $0xffff;
	_ =	sdelay $0x1  }
0x39: {  	vm1 =	veq.s32 v0, $0x80000000  }
0x3a: {  	v2 =	vand.u32 $0xF, v0;
	v3 =	vshrl.u32 v0, $0x9;
	v0 =	vshrl.u32 v0, $0x4  }
0x3b: {  	vm1 =	vmmov vm1;
	v3 =	vand.u32 $0xFF, v3;
	v2 =	vmul.u32 $0x1800, v2  }
0x3c: {  	v0 =	vand.u32 $0x1F, v0;
	vm2 =	veq.s32 v1, $0x80000000;
	v3 =	vsel vm1, $0xFFFFFFFF, v3  }
0x3d: {  	v0 =	vsel vm1, $0xFFFFFFFF, v0;
	v4 =	vand.u32 $0x7F, v3;
	v2 =	vsel vm1, $0xFFFFE800, v2  }
0x3e: {  	s15 =	sadd.s32 $0x10, s15;
	v5 =	vshll.u32 v0, $0x8;
	vm1 =	vmmov vm2;
	v3 =	vshll.u32 v3, $0x3  }
0x3f: {  	v6 =	vld.msk [tilespmem:s15+$0x0 ss:$0x1], $0xffff;
	v0 =	vshll.u32 v0, $0x7;
	v5 =	vand.u32 $0xFFFFF800, v5;
	v2 =	vor.u32 v2, v4  }
0x40: {  	v3 =	vand.u32 $0xFFFFFC00, v3;
	v4 =	vand.u32 $0xF, v1;
	v2 =	vadd.s32 v5, v2  }
0x41: {  	v0 =	vand.u32 $0x380, v0;
	v2 =	vadd.s32 v3, v2;
	v3 =	vshrl.u32 v1, $0x9  }
0x42: {  	v1 =	vshrl.u32 v1, $0x4;
	v0 =	vor.u32 v0, v2;
	v2 =	vand.u32 $0xFF, v3  }
0x43: {  	v1 =	vand.u32 $0x1F, v1;
	v3 =	vmul.u32 $0x1800, v4;
	v2 =	vsel vm1, $0xFFFFFFFF, v2  }
0x44: {  	vm2 =	veq.s32 v6, $0x80000000;
	v4 =	vsel vm1, $0xFFFFFFFF, v1;
	v5 =	vand.u32 $0x7F, v2  }
0x45: {  	s15 =	sadd.s32 $0x10, s15;
	v3 =	vsel vm1, $0xFFFFE800, v3;
	v7 =	vshll.u32 v4, $0x8;
	vm1 =	vmmov vm2  }
0x46: {  	v1 =	vld.msk [tilespmem:s15+$0x0 ss:$0x1], $0xffff;
	v2 =	vshll.u32 v2, $0x3;
	v7 =	vand.u32 $0xFFFFF800, v7;
	v3 =	vor.u32 v3, v5  }
0x47: {  	v4 =	vshll.u32 v4, $0x7;
	v2 =	vand.u32 $0xFFFFFC00, v2;
	v3 =	vadd.s32 v7, v3  }
0x48: {  	s14 =	sadd.s32 $0xD20, s14;
	(ifvalue) =	ssetifvalue $0x7FFFFFFF;
	v5 =	vand.u32 $0xF, v6;
	v4 =	vand.u32 $0x380, v4;
	v2 =	vadd.s32 v2, v3  }
0x49: {  	[tilespmem:s14], [sflag:$0x1] =	stream.indirect_vreg.gather [hbm4b:s2+s10], $0x1, v0, vm0, $0x4038;
	v3 =	vshrl.u32 v6, $0x4;
	v6 =	vshrl.u32 v6, $0x9;
	v0 =	vor.u32 v4, v2;
	[tilespmem:$0x1A40] =	vst v63  }
0x4a: {  	v2 =	vand.u32 $0x1F, v3;
	v4 =	vand.u32 $0xFF, v6;
	v3 =	vmul.u32 $0x1800, v5  }
0x4b: {  	s16 =	simm.s32 $0x30;
	s17 =	sadd.s32 $0x10, s15;
	s15 =	smov.u32 s14;
	vm2 =	veq.s32 v1, $0x80000000;
	v2 =	vsel vm1, $0xFFFFFFFF, v2;
	v4 =	vsel vm1, $0xFFFFFFFF, v4  }
.LBB2_3:
0x4c: {  	v6 =	vand.u32 $0x7F, v4  }
0x4d: {  	v5 =	vld.msk [tilespmem:s17+$0x0 ss:$0x1], $0xffff;
	v3 =	vsel vm1, $0xFFFFE800, v3;
	v7 =	vshll.u32 v2, $0x8;
	vm1 =	vmmov vm2;
	s16 =	sadd.s32 $0x10, s16  }
0x4e: {  	v4 =	vshll.u32 v4, $0x3;
	s15 =	sadd.s32 $0x10, s15;
	v7 =	vand.u32 $0xFFFFF800, v7;
	v3 =	vor.u32 v3, v6;
	(ifvalue) =	ssetifvalue $0x7FFFFFFF;
	p0 =	slt.u32 s16, $0x680  }
0x4f: {  	[tilespmem:s15], [sflag:$0x1] =	stream.indirect_vreg.gather [hbm4b:s2+s10], $0x1, v0, vm0, $0x4038;
	[tilespmem:$0x1A40] =	vst v63  }
.Ltmp3:
0x50: {  	v2 =	vshll.u32 v2, $0x7;
	v4 =	vand.u32 $0xFFFFFC00, v4;
	v3 =	vadd.s32 v7, v3;
	(pc) =	sbr.rel @p0 .LBB2_3-.Ltmp3, $4  }
0x51: {  	v6 =	vand.u32 $0xF, v1;
	v0 =	vand.u32 $0x380, v2;
	v2 =	vadd.s32 v4, v3  }
0x52: {  	v8 =	vshrl.u32 v1, $0x9;
	v3 =	vshrl.u32 v1, $0x4;
	v0 =	vor.u32 v0, v2  }
0x53: {  	v7 =	vand.u32 $0xFF, v8;
	v2 =	vand.u32 $0x1F, v3;
	v3 =	vmul.u32 $0x1800, v6  }
0x54: {  	s17 =	sadd.s32 $0x10, s17;
	v4 =	vsel vm1, $0xFFFFFFFF, v7;
	vm2 =	veq.s32 v5, $0x80000000;
	v2 =	vsel vm1, $0xFFFFFFFF, v2;
	v1 =	vmovc v5  }
.Ltmp4:
0x55: {  	_ = 	snop;
	(pc) =	sbr.rel .LBB2_4-.Ltmp4, $1  }
0x56: {  	_ =	sdelay $0x3  }
.LBB2_6:
0x57: {  	_ =	sfence.sel $0x180000  }
0x58: {  	s2 =	simm.s32 $0x2;
	[bflag:$0x0] =	sbarrier.arrive $0xFFFF  }
0x59: {  	s30 =	simm.s32 $0x3;
	[sflag:s2] =	ssyncpa.u1 $0x1  }
0x5a: {  	s31 =	simm.s32 $0x1;
	[sflag:s30] =	ssyncpa.u1 $0x1  }
0x5b: {  	[sflag:s31] =	ssyncpa.u1 $0x1  }
0x5c: {  	p0 =	sne.s32 s1, $0x0;
	_ =	strace $0x9000004A  }
0x5d: {  	s0 =	sadd.s32 @!p0 $0x100000, s0;
	[bflag:$0x2] =	sbarrier.arrive $0xFFFF  }
0x5e: {  	[sflag:s0] =	ssyncadd.tile.s32 @!p0 $0x1;
	_ =	shalt  }
.Lfunc_end2:
_tile_overlayer_lowered:
.L_overlay_start_2:
0x5f: {  	(tag) =	ssettag $0x2  }
0x60: {  	s0 =	rddreg [dreg:$0x0];
	s2 =	stileid.u32  }
0x61: {  	s1 =	rddreg [dreg:$0x1];
	p0 =	sne.s32 s2, $0x0  }
0x62: {  	s3 =	rddreg [dreg:$0x2];
	[bflag:$0x3] =	sbarrier.arrive $0xFFFF;
	s2 =	simm.s32 @!p0 $0x1C01  }
0x63: {  	[timem:s3], [sflag:s2] =	dma.local @!p0 [hbm:s0], s1  }
0x64: {  	s0 =	simm.s32 @!p0 $0x1  }
0x65: {  	_ =	swait.ge @!p0 [sflag:s0], s1  }
0x66: {  	s1 =	ssub.s32 @!p0 $0x0, s1;
	[sflag:s0] =	ssyncset.done @!p0 $0x0  }
0x67: {  	[sflag:s0] =	ssyncadd.s32 @!p0 s1  }
0x68: {  	[bflag:$0x3] =	sbarrier.arrive $0xFFFF  }
0x69: {  	_ =	shalt  }

// kernel: gather_offload_async_start.2
scs
__scs_entry_jumppad:
0x0: {  	(pc) =	sbr.rel $0x88, $3  }
0x1: {  	(tag) =	ssettag $0x0;
	lr =	simm.s32 $0x1  }
0x2: {  	[smem:$0x3F9C] =	sst lr;
	_ =	strace $0xD0000000  }
0x3: {  	_ = 	snop  }
0x4: {  	_ = 	snop  }
0x5: {  	_ = 	snop  }
0x6: {  	_ = 	snop  }
0x7: {  	_ = 	snop  }
__scs_overlays_trampoline_lowered:
0x8: {  	[smem:$0x3FAB] =	sst s0  }
0x9: {  	[smem:$0x3FAC] =	sst s1  }
0xa: {  	[smem:$0x3FAD] =	sst s2  }
0xb: {  	[smem:$0x3FAE] =	sst s3  }
0xc: {  	[smem:$0x3FAF] =	sst s4  }
0xd: {  	[smem:$0x3FB0] =	sst s5  }
0xe: {  	[smem:$0x3FB1] =	sst s6  }
0xf: {  	[smem:$0x3FB2] =	sst s7  }
0x10: {  	[smem:$0x3FB3] =	sst s8  }
0x11: {  	[smem:$0x3FB4] =	sst s9;
	s0 =	simm.s32 @!p0 $0x0  }
0x12: {  	s1 =	sld [smem:$0x3F9A];
	s0 =	simm.s32 @p0 $0x1  }
0x13: {  	[smem:$0x3FB5] =	sst s0;
	s0 =	simm.s32 @!p1 $0x0  }
0x14: {  	s2 =	sld [smem:$0x3F99];
	s0 =	simm.s32 @p1 $0x1  }
0x15: {  	[smem:$0x3FB6] =	sst s0;
	s0 =	simm.s32 @!p2 $0x0  }
0x16: {  	s3 =	sld [smem:$0x3FDB];
	s0 =	simm.s32 @p2 $0x1  }
0x17: {  	s4 =	simm.s32 $0x1BF5;
	[smem:$0x3FB8] =	sst s0  }
0x18: {  	s0 =	sld [smem:$0x3F9B];
	_ =	swait.ge [sflag:s4], $0x0  }
0x19: {  	s7 =	sld [smem:$0x3F9C]  }
0x1a: {  	s8 =	sadd.s32 $0xFFFFE003, lr  }
0x1b: {  	s9 =	sadd.s32 $0xFFFFFEF7, lr;
	s5 =	simm.s32 $0xFFFFFFFF;
	p2 =	slt.u32 s8, $0xFFFFF086  }
0x1c: {  	p1 =	slt.u32 s9, $0xF7A;
	s5 =	simm.s32 @!p2 $0x0  }
0x1d: {  	s5 =	simm.s32 @p1 $0x1;
	p0 =	seq.s32 s7, s2  }
0x1e: {  	s7 =	smul.u32 @!p0 $0xF7A, s2;
	p2 =	seq.s32 @!p0 s5, $0x0  }
0x1f: {  	s9 =	smul.u32 $0xF7A, s1;
	s8 =	simm.s32 @!p0 $0x1BF5;
	p2 =	por !p2, p0  }
0x20: {  	[sflag:s8] =	ssyncset.s32 @!p0 $0xFFFFF086;
	s6 =	sadd.s32 @!p0 s3, s7;
	s7 =	simm.s32 @!p0 $0x108  }
0x21: {  	s3 =	sadd.s32 s3, s9;
	s6 =	sadd.s32 @!p0 $0x88, s6;
	s7 =	simm.s32 @p2 $0x1082  }
0x22: {  	[simem:s7], [sflag:s8] =	dma.local @!p0 [hbm:s6], $0xF7A  }
0x23: {  	s9 =	sor.u32 $0xD0000000, s2;
	s6 =	simm.s32 $0x108;
	_ =	swait.ge @!p0 [sflag:s8], $0x0  }
0x24: {  	s3 =	sadd.s32 $0x88, s3;
	s6 =	simm.s32 @!p1 $0x1082;
	[sflag:s4] =	ssyncset.s32 $0xFFFFF086  }
0x25: {  	[simem:s6], [sflag:s4] =	dma.local [hbm:s3], $0xF7A  }
0x26: {  	[smem:$0x3F9C] =	sst s1;
	(tag) =	ssettag s2;
	_ =	strace s9  }
0x27: {  	s1 =	sld [smem:$0x3FAC]  }
0x28: {  	s2 =	sld [smem:$0x3FAD]  }
0x29: {  	s4 =	sld [smem:$0x3FAF]  }
0x2a: {  	p0 =	seq.s32 s5, $0x0;
	s5 =	sld [smem:$0x3FB0]  }
0x2b: {  	s6 =	sld [smem:$0x3FB1]  }
0x2c: {  	s7 =	sld [smem:$0x3FB2]  }
0x2d: {  	s3 =	simm.s32 $0x108;
	s8 =	sld [smem:$0x3FB3]  }
0x2e: {  	s3 =	simm.s32 @!p0 $0x1082;
	s9 =	sld [smem:$0x3FB4]  }
0x2f: {  	lr =	sadd.s32 s0, s3;
	s0 =	sld [smem:$0x3FAB]  }
0x30: {  	s3 =	sld [smem:$0x3FAE]  }
0x31: {  	[smem:$0x3FB7] =	sst s10  }
0x32: {  	s10 =	sld [smem:$0x3FB5];
	_ =	sdelay $0x3  }
0x33: {  	p0 =	seq.s32 s10, $0x1;
	s10 =	sld [smem:$0x3FB7];
	_ =	sdelay $0x3  }
0x34: {  	[smem:$0x3FB7] =	sst s10  }
0x35: {  	s10 =	sld [smem:$0x3FB6];
	_ =	sdelay $0x3  }
0x36: {  	p1 =	seq.s32 s10, $0x1;
	s10 =	sld [smem:$0x3FB7];
	_ =	sdelay $0x3  }
0x37: {  	[smem:$0x3FB7] =	sst s10  }
0x38: {  	s10 =	sld [smem:$0x3FB8]  }
0x39: {  	_ = 	snop;
	(pc) =	sbr.ind lr, $3  }
0x3a: {  	_ = 	snop  }
0x3b: {  	_ = 	snop  }
0x3c: {  	p2 =	seq.s32 s10, $0x1;
	s10 =	sld [smem:$0x3FB7]  }
0x3d: {  	_ =	shalt  }
0x3e: {  	_ =	shalt  }
0x3f: {  	_ =	shalt  }
0x40: {  	_ =	shalt  }
0x41: {  	_ =	shalt  }
0x42: {  	_ =	shalt  }
0x43: {  	_ =	shalt  }
0x44: {  	_ =	shalt  }
0x45: {  	_ =	shalt  }
0x46: {  	_ =	shalt  }
0x47: {  	_ =	shalt  }
0x48: {  	_ =	shalt  }
0x49: {  	_ =	shalt  }
0x4a: {  	_ =	shalt  }
0x4b: {  	_ =	shalt  }
0x4c: {  	_ =	shalt  }
0x4d: {  	_ =	shalt  }
0x4e: {  	_ =	shalt  }
0x4f: {  	_ =	shalt  }
0x50: {  	_ =	shalt  }
0x51: {  	_ =	shalt  }
0x52: {  	_ =	shalt  }
0x53: {  	_ =	shalt  }
0x54: {  	_ =	shalt  }
0x55: {  	_ =	shalt  }
0x56: {  	_ =	shalt  }
0x57: {  	_ =	shalt  }
0x58: {  	_ =	shalt  }
0x59: {  	_ =	shalt  }
0x5a: {  	_ =	shalt  }
0x5b: {  	_ =	shalt  }
0x5c: {  	_ =	shalt  }
0x5d: {  	_ =	shalt  }
0x5e: {  	_ =	shalt  }
0x5f: {  	_ =	shalt  }
0x60: {  	_ =	shalt  }
0x61: {  	_ =	shalt  }
0x62: {  	_ =	shalt  }
0x63: {  	_ =	shalt  }
0x64: {  	_ =	shalt  }
0x65: {  	_ =	shalt  }
0x66: {  	_ =	shalt  }
0x67: {  	_ =	shalt  }
0x68: {  	_ =	shalt  }
0x69: {  	_ =	shalt  }
0x6a: {  	_ =	shalt  }
0x6b: {  	_ =	shalt  }
0x6c: {  	_ =	shalt  }
0x6d: {  	_ =	shalt  }
0x6e: {  	_ =	shalt  }
0x6f: {  	_ =	shalt  }
0x70: {  	_ =	shalt  }
0x71: {  	_ =	shalt  }
0x72: {  	_ =	shalt  }
0x73: {  	_ =	shalt  }
0x74: {  	_ =	shalt  }
0x75: {  	_ =	shalt  }
0x76: {  	_ =	shalt  }
0x77: {  	_ =	shalt  }
0x78: {  	_ =	shalt  }
0x79: {  	_ =	shalt  }
0x7a: {  	_ =	shalt  }
0x7b: {  	_ =	shalt  }
0x7c: {  	_ =	shalt  }
0x7d: {  	_ =	shalt  }
0x7e: {  	_ =	shalt  }
0x7f: {  	_ =	shalt  }
0x80: {  	_ =	shalt  }
0x81: {  	_ =	shalt  }
0x82: {  	_ =	shalt  }
0x83: {  	_ =	shalt  }
0x84: {  	_ =	shalt  }
0x85: {  	_ =	shalt  }
0x86: {  	_ =	shalt  }
0x87: {  	_ =	shalt  }
.Lfunc_end0:
.L_simem_size_0:
called_computation.2_lowered:
.L_overlay_start_0:
0x88: {  	s2 =	sld [smem:$0x3FD9]  }
0x89: {  	s3 =	sld [smem:$0x3FFE];
	_ =	sdelay $0x1  }
0x8a: {  	s1 =	srdreg.scid  }
0x8b: {  	s0 =	sand.u32 $0x1, s1  }
0x8c: {  	s17 =	sshll.u32 s0, $0xA;
	s2 =	sadd.s32 s3, s2  }
0x8d: {  	s2 =	sadd.s32 s2, s17  }
0x8e: {  	[smem:$0x3FC3] =	sst s2  }
0x8f: {  	_ = 	snop  }
0x90: {  	(tm) =	ssettm $0x1  }
0x91: {  	s18 =	sld [smem:$0x3FFB];
	_ =	sdelay $0x3  }
0x92: {  	_ =	strace s18  }
0x93: {  	s2 =	sld [smem:$0x3FFC];
	_ =	sdelay $0x3  }
0x94: {  	_ =	strace s2  }
0x95: {  	s2 =	sld [smem:$0x3FFD];
	_ =	sdelay $0x3  }
0x96: {  	_ =	strace s2  }
0x97: {  	_ =	strace $0x8FFFFFFF  }
0x98: {  	s19 =	sld [smem:$0x3FDB];
	_ =	sdelay $0x1  }
0x99: {  	s20 =	simm.s32 $_scs_section_size  }
0x9a: {  	s4 =	simm.s32 $_size__tile_overlayer_lowered;
	s5 =	simm.s32 $_tile_overlayer_lowered  }
0x9b: {  	s6 =	simm.s32 $0x1BFF;
	s21 =	sshll.u32 s5, $0x1;
	s3 =	sadd.s32 s20, s19  }
0x9c: {  	s22 =	simm.s32 $0x0;
	s4 =	sshll.u32 s4, $0x1;
	s5 =	sadd.s32 s21, s3  }
0x9d: {  	[timem:s22], [sflag:s6] =	dma.local [hbm:s5], s4  }
0x9e: {  	_ =	swait.ge [sflag:s6], s4  }
0x9f: {  	s4 =	ssub.s32 $0x0, s4;
	[sflag:s6] =	ssyncset.done $0x0  }
0xa0: {  	[sflag:s6] =	ssyncadd.s32 s4;
	_ =	sdelay $0x1  }
0xa1: {  	s23 =	simm.s32 $0x1B8B  }
0xa2: {  	_ =	swait.ge [sflag:s23], $0x1  }
0xa3: {  	[sflag:s23] =	ssyncset.done $0x0  }
0xa4: {  	[sflag:s23] =	ssyncadd.s32 $0xFFFFFFFF  }
0xa5: {  	s4 =	sld [smem:$0x0]  }
0xa6: {  	s5 =	sand.u32 $0xFFFFFFFE, s1  }
0xa7: {  	p0 =	sne.s32 s1, s5  }
0xa8: {  	s5 =	sshll.u32 @p0 s5, $0xE  }
0xa9: {  	s5 =	sadd.s32 @p0 $0x11B8D, s5;
	s6 =	sshll.u32 @p0 s4, $0x11  }
0xaa: {  	s5 =	sor.u32 @p0 s6, s5  }
0xab: {  	[sflag:s5] =	ssyncadd.remote.s32 @p0 $0x1;
	_ =	sdelay $0x1  }
0xac: {  	s5 =	simm.s32 @p0 $0x1B8D  }
0xad: {  	_ =	swait.eq @p0 [sflag:s5], $0x1  }
0xae: {  	[sflag:s5] =	ssyncadd.s32 @p0 $0xFFFFFFFF  }
0xaf: {  	s6 =	sshll.u32 @!p0 s1, $0xE  }
0xb0: {  	s6 =	sor.u32 @!p0 $0x4000, s6;
	s5 =	simm.s32 @!p0 $0x1B8D  }
0xb1: {  	s4 =	sshll.u32 @!p0 s4, $0x11;
	s6 =	sadd.s32 @!p0 $0x11B8D, s6;
	_ =	swait.eq @!p0 [sflag:s5], $0x1  }
0xb2: {  	s4 =	sor.u32 @!p0 s4, s6;
	[sflag:s5] =	ssyncadd.s32 @!p0 $0xFFFFFFFF  }
0xb3: {  	s25 =	simm.s32 $0x1B8E;
	s24 =	sld [smem:$0x3FFE];
	[sflag:s4] =	ssyncadd.remote.s32 @!p0 $0x1  }
0xb4: {  	s26 =	simm.s32 $execute0_lowered;
	[smem:$0x3FD2] =	sst s25  }
0xb5: {  	s5 =	sshll.u32 s26, $0x1;
	_ =	strace $0x8000004C;
	[dreg:$0x1] =	wrdreg $0xFFFFFFFF  }
0xb6: {  	s28 =	simm.s32 $_size_execute0_lowered;
	s3 =	sadd.s32 s3, s5;
	[dreg:$0x0] =	wrdreg $0x0  }
0xb7: {  	s5 =	sshll.u32 s28, $0x1;
	[dreg:$0x2] =	wrdreg s3  }
0xb8: {  	[dreg:$0x3] =	wrdreg s5  }
0xb9: {  	[dreg:$0x4] =	wrdreg $0xC0  }
0xba: {  	_ =	task [dreg:s22], $0x5FFFF  }
0xbb: {  	[dreg:$0x1] =	wrdreg $0xFFFFFFFF  }
0xbc: {  	[dreg:$0x0] =	wrdreg $0x60  }
0xbd: {  	[dreg:$0x2] =	wrdreg s24  }
0xbe: {  	[dreg:$0x3] =	wrdreg $0xA  }
0xbf: {  	_ =	task.clear_ibuf [dreg:s22], $0x4FFFF;
	_ =	strace $0x9000004C  }
0xc0: {  	s29 =	simm.s32 $0xA;
	_ =	strace $0x8000004E  }
0xc1: {  	_ =	swait.ge [sflag:s29], $0x1  }
0xc2: {  	[sflag:s29] =	ssyncadd.s32 $0xFFFFFFFF  }
0xc3: {  	_ =	strace $0x9000004E  }
0xc4: {  	_ =	sfence  }
0xc5: {  	s30 =	sld [smem:$0x0];
	_ =	sdelay $0x2  }
0xc6: {  	s31 =	sshll.u32 s1, $0xD;
	s1 =	sshrl.u32 s1, $0x2  }
0xc7: {  	s4 =	sand.u32 $0x4000, s31;
	s1 =	sadd.s32 s1, s30  }
0xc8: {  	s0 =	sor.u32 s4, s0;
	s1 =	sshll.u32 s1, $0x11  }
0xc9: {  	s0 =	sor.u32 s1, s0  }
0xca: {  	s0 =	sadd.s32 $0x8F2B, s0  }
0xcb: {  	[sflag:s0] =	ssyncadd.remote.s32 $0x1  }
0xcc: {  	_ =	sfence.sel $0xFFFF  }
0xcd: {  	[dreg:$0x0] =	wrdreg $0xFFFFFFFF;
	(pc) =	sbr.abs _section_cstart, $3  }
0xce: {  	[dreg:$0x1] =	wrdreg $0xFFFFFFFF  }
0xcf: {  	_ =	task.clear_ibuf [dreg:s22], $0x2FFFF;
	_ =	strace $0x9FFFFFFF  }
0xd0: {  	(tm) =	ssettm $0x7FFFFFFF  }
0xd1: {  	_ =	shalt  }
tec
execute0_lowered:
.L_overlay_start_1:
0x0: {  	(tag) =	ssettag $0x1  }
0x1: {  	s0 =	srdreg.scid  }
0x2: {  	s1 =	sshll.u32 s0, $0x4  }
0x3: {  	s0 =	stileid.u32;
	s1 =	sand.u32 $0x10, s1  }
0x4: {  	s1 =	sor.u32 s0, s1  }
0x5: {  	s2 =	smul.u32 $0x5, s1  }
0x6: {  	s3 =	smin.u32 s1, $0x8  }
0x7: {  	s2 =	sadd.s32 s3, s2  }
0x8: {  	p0 =	slt.u32 s1, $0x8;
	s1 =	simm.s32 $0x960;
	s2 =	smul.u32 $0x190, s2  }
0x9: {  	s1 =	simm.s32 @!p0 $0x7D0  }
0xa: {  	s1 =	sadd.s32 s1, s2  }
0xb: {  	s3 =	smin.u32 s1, $0x10680  }
0xc: {  	s7 =	ssub.s32 s3, s2  }
0xd: {  	p0 =	sgt.s32 s7, $0x0  }
0xe: {  	s7 =	simm.s32 @!p0 $0x0  }
0xf: {  	s4 =	smulhi.u32 $0x51EB851F, s7  }
0x10: {  	s9 =	rddreg [dreg:$0x0];
	s6 =	simm.s32 $0x1;
	s11 =	simm.s32 $0x3  }
0x11: {  	s13 =	simm.s32 $0x0;
	s12 =	simm.s32 $0x0;
	s8 =	sshrl.u32 s4, $0x7  }
0x12: {  	s1 =	rddreg [dreg:$0x1];
	_ =	strace $0x8000004D;
	s10 =	smul.u32 $0x190, s8  }
.Ltmp0:
0x13: {  	s5 =	sadd.s32 $0x106C00, s9;
	[sflag:s6] =	ssyncpa.u1 $0x0;
	(pc) =	sbr.rel .LBB2_1-.Ltmp0, $4  }
0x14: {  	s4 =	sadd.s32 $0x400, s9;
	p0 =	sne.s32 s7, s10;
	s10 =	simm.s32 $0x1  }
0x15: {  	s9 =	sadd.s32 $0x10B000, s9;
	s7 =	simm.s32 $0x2;
	s10 =	simm.s32 @!p0 $0x0  }
0x16: {  	[sflag:s7] =	ssyncpa.u1 $0x0;
	p0 =	por $0x0, $0x0;
	s8 =	sadd.s32 s10, s8  }
0x17: {  	vm0 =	vmmov $0xff;
	vm1 =	vcmask $0x3F20;
	[sflag:s11] =	ssyncpa.u1 $0x0;
	s11 =	smov.u32 s2;
	s10 =	sadd.s32 $0x1, s8  }
.LBB2_6:
0x18: {  	[hbm:s17] =	stream.linear.scatter [tilespmem:s14], [sflag:$0x3], $0x400, $0x38;
	[tilespmem:$0x19320] =	vst v63  }
.LBB2_7:
0x19: {  	s13 =	sadd.s32 $0x190, s11  }
0x1a: {  	s15 =	smov.u32 s2;
	p2 =	slt.s32 s13, s3  }
0x1b: {  	s15 =	smov.u32 @p2 s13;
	p2 =	sne.s32 s12, s10  }
.Ltmp1:
0x1c: {  	p1 =	slt.u32 s12, $0x2;
	(pc) =	sbr.rel @!p2 .LBB2_8-.Ltmp1, $4  }
0x1d: {  	s14 =	simm.s32 @!p1 $0x3  }
0x1e: {  	s16 =	sadd.s32 $0x1, s12;
	_ =	swait.ge @!p1 [sflag:s14], $0xC800  }
0x1f: {  	p0 =	por !p0, !p0;
	s13 =	smov.u32 s11;
	[sflag:s14] =	ssyncset.done @!p1 $0x0  }
0x20: {  	s12 =	smov.u32 s16;
	s11 =	smov.u32 s15;
	[sflag:s14] =	ssyncadd.s32 @!p1 $0xFFFF3800  }
.LBB2_1:
0x21: {  	p1 =	sge.u32 s12, s8  }
0x22: {  	s14 =	sxor.u32 @!p1 $0xFFFFFFFF, s12  }
0x23: {  	s14 =	sand.u32 @!p1 $0x1, s14  }
0x24: {  	s14 =	smul.u32 @!p1 $0x640, s14  }
0x25: {  	s31 =	sadd.s32 $0xFFFFFFFF, s12;
	s15 =	sshrl.u32 @!p1 s11, $0x3  }
0x26: {  	s16 =	sand.u32 @!p1 $0x7, s11;
	s15 =	sadd.s32 @!p1 s5, s15;
	s14 =	sshrl.u32 @!p1 s14, $0x2  }
0x27: {  	[tilespmem:s14], [sflag:$0x2] =	stream.linear.gather @!p1 [hbm4b:s15+s16], $0x190, $0x38;
	[tilespmem:$0x19320] =	vst v63  }
0x28: {  	p1 =	sge.u32 s31, s8  }
.Ltmp2:
0x29: {  	_ = 	snop;
	(pc) =	sbr.rel @p1 .LBB2_7-.Ltmp2, $1  }
0x2a: {  	_ =	sdelay $0x3  }
0x2b: {  	s14 =	simm.s32 $0x1  }
0x2c: {  	s14 =	simm.s32 @!p0 $0x0  }
0x2d: {  	s15 =	smul.u32 $0x640, s14  }
0x2e: {  	_ =	swait.ge [sflag:s7], $0x190  }
0x2f: {  	[sflag:s7] =	ssyncset.done $0x0;
	s16 =	sshrl.u32 s15, $0x2  }
0x30: {  	[sflag:s7] =	ssyncadd.s32 $0xFFFFFE70;
	s15 =	sadd.s32 $0x0, s16  }
0x31: {  	v0 =	vld.msk [tilespmem:s15+$0x0 ss:$0x1], $0xffff;
	_ =	sdelay $0x4  }
0x32: {  	v1 =	vshrl.u32 v0, $0x4  }
0x33: {  	v2 =	vand.u32 $0xF, v0;
	v1 =	vand.u32 $0x1F, v1  }
0x34: {  	v3 =	vshrl.u32 v0, $0x2;
	v2 =	vmul.u32 $0x83400, v2;
	v1 =	vmul.u32 $0x6400, v1  }
0x35: {  	vm2 =	veq.s32 v0, $0x80000000;
	v0 =	vand.u32 $0x7F80, v3  }
0x36: {  	v0 =	vsel vm2, $0xFFFFFF80, v0;
	v1 =	vadd.s32 v2, v1  }
0x37: {  	v2 =	vand.u32 $0xFFFFFC00, v0;
	v1 =	vsel vm2, $0xFFF76800, v1  }
0x38: {  	v0 =	vand.u32 $0x380, v0;
	v1 =	vadd.s32 v2, v1  }
0x39: {  	v0 =	vor.u32 v0, v1  }
0x3a: {  	v0 =	vshrl.u32 v0, $0x3  }
0x3b: {  	s14 =	smul.u32 $0x32000, s14;
	_ =	sdelay $0x1  }
0x3c: {  	s14 =	sshrl.u32 s14, $0x2  }
0x3d: {  	s14 =	sor.u32 $0x320, s14  }
0x3e: {  	[tilespmem:s14], [sflag:$0x1] =	stream.indirect_vreg.gather [hbm:s4], $0x80, v0, vm0, $0x38;
	[tilespmem:$0x19320] =	vst v63  }
0x3f: {  	s17 =	sadd.s32 $0x10, s16;
	s15 =	sadd.s32 $0x400, s14  }
0x40: {  	[tilespmem:s15], [sflag:$0x1] =	stream.indirect_vreg.gather [hbm:s4], $0x80, v0, vm1, $0x38;
	[tilespmem:$0x19320] =	vst v63  }
0x41: {  	s18 =	simm.s32 $0x80;
	v0 =	vld.msk [tilespmem:s17+$0x0 ss:$0x1], $0xffff;
	s17 =	smov.u32 s14  }
.LBB2_3:
0x42: {  	p1 =	sne.s32 s18, $0x600;
	_ =	sdelay $0x4  }
0x43: {  	v1 =	vshrl.u32 v0, $0x4  }
0x44: {  	v2 =	vand.u32 $0xF, v0;
	v1 =	vand.u32 $0x1F, v1  }
0x45: {  	v3 =	vshrl.u32 v0, $0x2;
	v2 =	vmul.u32 $0x83400, v2;
	v1 =	vmul.u32 $0x6400, v1  }
0x46: {  	vm2 =	veq.s32 v0, $0x80000000;
	v0 =	vand.u32 $0x7F80, v3  }
0x47: {  	v0 =	vsel vm2, $0xFFFFFF80, v0;
	v1 =	vadd.s32 v2, v1  }
0x48: {  	v2 =	vand.u32 $0xFFFFFC00, v0;
	v1 =	vsel vm2, $0xFFF76800, v1  }
0x49: {  	v0 =	vand.u32 $0x380, v0;
	v1 =	vadd.s32 v2, v1  }
0x4a: {  	v0 =	vor.u32 v0, v1  }
0x4b: {  	v0 =	vshrl.u32 v0, $0x3;
	_ =	sdelay $0x3  }
.Ltmp3:
0x4c: {  	s19 =	sshra.s32 s18, $0x2;
	s17 =	sadd.s32 $0x800, s17;
	(pc) =	sbr.rel @p1 .LBB2_3-.Ltmp3, $4  }
0x4d: {  	[tilespmem:s17], [sflag:$0x1] =	stream.indirect_vreg.gather [hbm:s4], $0x80, v0, vm0, $0x38;
	[tilespmem:$0x19320] =	vst v63  }
0x4e: {  	s19 =	sadd.s32 s19, s16;
	s20 =	sadd.s32 $0x400, s17  }
0x4f: {  	[tilespmem:s20], [sflag:$0x1] =	stream.indirect_vreg.gather [hbm:s4], $0x80, v0, vm1, $0x38;
	[tilespmem:$0x19320] =	vst v63  }
0x50: {  	s18 =	sadd.s32 $0x40, s18;
	v0 =	vld.msk [tilespmem:s19+$0x0 ss:$0x1], $0xffff  }
0x51: {  	_ =	sdelay $0x3  }
0x52: {  	v1 =	vshrl.u32 v0, $0x4  }
0x53: {  	v2 =	vand.u32 $0xF, v0;
	v1 =	vand.u32 $0x1F, v1  }
0x54: {  	v3 =	vshrl.u32 v0, $0x2;
	v2 =	vmul.u32 $0x83400, v2;
	v1 =	vmul.u32 $0x6400, v1  }
0x55: {  	vm2 =	veq.s32 v0, $0x80000000;
	v62 =	vand.u32 $0x7F80, v3  }
0x56: {  	v0 =	vsel vm2, $0xFFFFFF80, v62;
	v1 =	vadd.s32 v2, v1  }
0x57: {  	v63 =	vand.u32 $0xFFFFFC00, v0;
	v1 =	vsel vm2, $0xFFF76800, v1  }
0x58: {  	v0 =	vand.u32 $0x380, v0;
	v1 =	vadd.s32 v63, v1  }
0x59: {  	v0 =	vor.u32 v0, v1  }
0x5a: {  	v0 =	vshrl.u32 v0, $0x3;
	_ =	sdelay $0x3  }
0x5b: {  	s16 =	sadd.s32 $0x800, s17  }
0x5c: {  	[tilespmem:s16], [sflag:$0x1] =	stream.indirect_vreg.gather [hbm:s4], $0x80, v0, vm0, $0x38;
	[tilespmem:$0x19320] =	vst v63  }
0x5d: {  	s16 =	sadd.s32 $0x400, s16  }
0x5e: {  	[tilespmem:s16], [sflag:$0x1] =	stream.indirect_vreg.gather [hbm:s4], $0x80, v0, vm1, $0x38;
	[tilespmem:$0x19320] =	vst v63  }
0x5f: {  	s13 =	sshll.u32 s13, $0x4;
	_ =	swait.ge [sflag:s6], $0xC800  }
0x60: {  	s13 =	sadd.s32 s13, s9;
	[sflag:s6] =	ssyncset.done $0x0  }
0x61: {  	s17 =	sadd.s32 $0x0, s13;
	s16 =	simm.s32 $0x80;
	[sflag:s6] =	ssyncadd.s32 $0xFFFF3800  }
.LBB2_5:
0x62: {  	[hbm:s17] =	stream.linear.scatter [tilespmem:s14], [sflag:$0x3], $0x400, $0x38;
	[tilespmem:$0x19320] =	vst v63  }
0x63: {  	s17 =	smov.u32 s16;
	s14 =	smov.u32 s15;
	p1 =	sne.s32 s16, $0x1880  }
.Ltmp4:
0x64: {  	s16 =	sadd.s32 $0x80, s16;
	(pc) =	sbr.rel @p1 .LBB2_5-.Ltmp4, $2  }
0x65: {  	_ =	sdelay $0x2  }
0x66: {  	s15 =	sadd.s32 $0x400, s15;
	s17 =	sadd.s32 s17, s13  }
.Ltmp5:
0x67: {  	_ = 	snop;
	(pc) =	sbr.rel .LBB2_6-.Ltmp5, $1  }
0x68: {  	_ =	sdelay $0x3  }
.LBB2_8:
0x69: {  	_ =	sfence.sel $0x180000  }
0x6a: {  	s2 =	simm.s32 $0x2;
	[bflag:$0x0] =	sbarrier.arrive $0xFFFF  }
0x6b: {  	s30 =	simm.s32 $0x3;
	[sflag:s2] =	ssyncpa.u1 $0x1  }
0x6c: {  	s31 =	simm.s32 $0x1;
	[sflag:s30] =	ssyncpa.u1 $0x1  }
0x6d: {  	[sflag:s31] =	ssyncpa.u1 $0x1  }
0x6e: {  	p0 =	sne.s32 s0, $0x0;
	_ =	strace $0x9000004D  }
0x6f: {  	s0 =	sadd.s32 @!p0 $0x100000, s1;
	[bflag:$0x2] =	sbarrier.arrive $0xFFFF  }
0x70: {  	[sflag:s0] =	ssyncadd.tile.s32 @!p0 $0x1;
	_ =	shalt  }
.Lfunc_end2:
_tile_overlayer_lowered:
.L_overlay_start_2:
0x71: {  	(tag) =	ssettag $0x2  }
0x72: {  	s0 =	rddreg [dreg:$0x0];
	s2 =	stileid.u32  }
0x73: {  	s1 =	rddreg [dreg:$0x1];
	p0 =	sne.s32 s2, $0x0  }
0x74: {  	s3 =	rddreg [dreg:$0x2];
	[bflag:$0x3] =	sbarrier.arrive $0xFFFF;
	s2 =	simm.s32 @!p0 $0x1C01  }
0x75: {  	[timem:s3], [sflag:s2] =	dma.local @!p0 [hbm:s0], s1  }
0x76: {  	s0 =	simm.s32 @!p0 $0x1  }
0x77: {  	_ =	swait.ge @!p0 [sflag:s0], s1  }
0x78: {  	s1 =	ssub.s32 @!p0 $0x0, s1;
	[sflag:s0] =	ssyncset.done @!p0 $0x0  }
0x79: {  	[sflag:s0] =	ssyncadd.s32 @!p0 s1  }
0x7a: {  	[bflag:$0x3] =	sbarrier.arrive $0xFFFF  }
0x7b: {  	_ =	shalt  }

// kernel: gather_offload_async_start
scs
__scs_entry_jumppad:
0x0: {  	(pc) =	sbr.rel $0x88, $3  }
0x1: {  	(tag) =	ssettag $0x0;
	lr =	simm.s32 $0x1  }
0x2: {  	[smem:$0x3F9C] =	sst lr;
	_ =	strace $0xD0000000  }
0x3: {  	_ = 	snop  }
0x4: {  	_ = 	snop  }
0x5: {  	_ = 	snop  }
0x6: {  	_ = 	snop  }
0x7: {  	_ = 	snop  }
__scs_overlays_trampoline_lowered:
0x8: {  	[smem:$0x3FAB] =	sst s0  }
0x9: {  	[smem:$0x3FAC] =	sst s1  }
0xa: {  	[smem:$0x3FAD] =	sst s2  }
0xb: {  	[smem:$0x3FAE] =	sst s3  }
0xc: {  	[smem:$0x3FAF] =	sst s4  }
0xd: {  	[smem:$0x3FB0] =	sst s5  }
0xe: {  	[smem:$0x3FB1] =	sst s6  }
0xf: {  	[smem:$0x3FB2] =	sst s7  }
0x10: {  	[smem:$0x3FB3] =	sst s8  }
0x11: {  	[smem:$0x3FB4] =	sst s9;
	s0 =	simm.s32 @!p0 $0x0  }
0x12: {  	s1 =	sld [smem:$0x3F9A];
	s0 =	simm.s32 @p0 $0x1  }
0x13: {  	[smem:$0x3FB5] =	sst s0;
	s0 =	simm.s32 @!p1 $0x0  }
0x14: {  	s2 =	sld [smem:$0x3F99];
	s0 =	simm.s32 @p1 $0x1  }
0x15: {  	[smem:$0x3FB6] =	sst s0;
	s0 =	simm.s32 @!p2 $0x0  }
0x16: {  	s3 =	sld [smem:$0x3FDB];
	s0 =	simm.s32 @p2 $0x1  }
0x17: {  	s4 =	simm.s32 $0x1BF5;
	[smem:$0x3FB8] =	sst s0  }
0x18: {  	s0 =	sld [smem:$0x3F9B];
	_ =	swait.ge [sflag:s4], $0x0  }
0x19: {  	s7 =	sld [smem:$0x3F9C]  }
0x1a: {  	s8 =	sadd.s32 $0xFFFFE003, lr  }
0x1b: {  	s9 =	sadd.s32 $0xFFFFFEF7, lr;
	s5 =	simm.s32 $0xFFFFFFFF;
	p2 =	slt.u32 s8, $0xFFFFF086  }
0x1c: {  	p1 =	slt.u32 s9, $0xF7A;
	s5 =	simm.s32 @!p2 $0x0  }
0x1d: {  	s5 =	simm.s32 @p1 $0x1;
	p0 =	seq.s32 s7, s2  }
0x1e: {  	s7 =	smul.u32 @!p0 $0xF7A, s2;
	p2 =	seq.s32 @!p0 s5, $0x0  }
0x1f: {  	s9 =	smul.u32 $0xF7A, s1;
	s8 =	simm.s32 @!p0 $0x1BF5;
	p2 =	por !p2, p0  }
0x20: {  	[sflag:s8] =	ssyncset.s32 @!p0 $0xFFFFF086;
	s6 =	sadd.s32 @!p0 s3, s7;
	s7 =	simm.s32 @!p0 $0x108  }
0x21: {  	s3 =	sadd.s32 s3, s9;
	s6 =	sadd.s32 @!p0 $0x88, s6;
	s7 =	simm.s32 @p2 $0x1082  }
0x22: {  	[simem:s7], [sflag:s8] =	dma.local @!p0 [hbm:s6], $0xF7A  }
0x23: {  	s9 =	sor.u32 $0xD0000000, s2;
	s6 =	simm.s32 $0x108;
	_ =	swait.ge @!p0 [sflag:s8], $0x0  }
0x24: {  	s3 =	sadd.s32 $0x88, s3;
	s6 =	simm.s32 @!p1 $0x1082;
	[sflag:s4] =	ssyncset.s32 $0xFFFFF086  }
0x25: {  	[simem:s6], [sflag:s4] =	dma.local [hbm:s3], $0xF7A  }
0x26: {  	[smem:$0x3F9C] =	sst s1;
	(tag) =	ssettag s2;
	_ =	strace s9  }
0x27: {  	s1 =	sld [smem:$0x3FAC]  }
0x28: {  	s2 =	sld [smem:$0x3FAD]  }
0x29: {  	s4 =	sld [smem:$0x3FAF]  }
0x2a: {  	p0 =	seq.s32 s5, $0x0;
	s5 =	sld [smem:$0x3FB0]  }
0x2b: {  	s6 =	sld [smem:$0x3FB1]  }
0x2c: {  	s7 =	sld [smem:$0x3FB2]  }
0x2d: {  	s3 =	simm.s32 $0x108;
	s8 =	sld [smem:$0x3FB3]  }
0x2e: {  	s3 =	simm.s32 @!p0 $0x1082;
	s9 =	sld [smem:$0x3FB4]  }
0x2f: {  	lr =	sadd.s32 s0, s3;
	s0 =	sld [smem:$0x3FAB]  }
0x30: {  	s3 =	sld [smem:$0x3FAE]  }
0x31: {  	[smem:$0x3FB7] =	sst s10  }
0x32: {  	s10 =	sld [smem:$0x3FB5];
	_ =	sdelay $0x3  }
0x33: {  	p0 =	seq.s32 s10, $0x1;
	s10 =	sld [smem:$0x3FB7];
	_ =	sdelay $0x3  }
0x34: {  	[smem:$0x3FB7] =	sst s10  }
0x35: {  	s10 =	sld [smem:$0x3FB6];
	_ =	sdelay $0x3  }
0x36: {  	p1 =	seq.s32 s10, $0x1;
	s10 =	sld [smem:$0x3FB7];
	_ =	sdelay $0x3  }
0x37: {  	[smem:$0x3FB7] =	sst s10  }
0x38: {  	s10 =	sld [smem:$0x3FB8]  }
0x39: {  	_ = 	snop;
	(pc) =	sbr.ind lr, $3  }
0x3a: {  	_ = 	snop  }
0x3b: {  	_ = 	snop  }
0x3c: {  	p2 =	seq.s32 s10, $0x1;
	s10 =	sld [smem:$0x3FB7]  }
0x3d: {  	_ =	shalt  }
0x3e: {  	_ =	shalt  }
0x3f: {  	_ =	shalt  }
0x40: {  	_ =	shalt  }
0x41: {  	_ =	shalt  }
0x42: {  	_ =	shalt  }
0x43: {  	_ =	shalt  }
0x44: {  	_ =	shalt  }
0x45: {  	_ =	shalt  }
0x46: {  	_ =	shalt  }
0x47: {  	_ =	shalt  }
0x48: {  	_ =	shalt  }
0x49: {  	_ =	shalt  }
0x4a: {  	_ =	shalt  }
0x4b: {  	_ =	shalt  }
0x4c: {  	_ =	shalt  }
0x4d: {  	_ =	shalt  }
0x4e: {  	_ =	shalt  }
0x4f: {  	_ =	shalt  }
0x50: {  	_ =	shalt  }
0x51: {  	_ =	shalt  }
0x52: {  	_ =	shalt  }
0x53: {  	_ =	shalt  }
0x54: {  	_ =	shalt  }
0x55: {  	_ =	shalt  }
0x56: {  	_ =	shalt  }
0x57: {  	_ =	shalt  }
0x58: {  	_ =	shalt  }
0x59: {  	_ =	shalt  }
0x5a: {  	_ =	shalt  }
0x5b: {  	_ =	shalt  }
0x5c: {  	_ =	shalt  }
0x5d: {  	_ =	shalt  }
0x5e: {  	_ =	shalt  }
0x5f: {  	_ =	shalt  }
0x60: {  	_ =	shalt  }
0x61: {  	_ =	shalt  }
0x62: {  	_ =	shalt  }
0x63: {  	_ =	shalt  }
0x64: {  	_ =	shalt  }
0x65: {  	_ =	shalt  }
0x66: {  	_ =	shalt  }
0x67: {  	_ =	shalt  }
0x68: {  	_ =	shalt  }
0x69: {  	_ =	shalt  }
0x6a: {  	_ =	shalt  }
0x6b: {  	_ =	shalt  }
0x6c: {  	_ =	shalt  }
0x6d: {  	_ =	shalt  }
0x6e: {  	_ =	shalt  }
0x6f: {  	_ =	shalt  }
0x70: {  	_ =	shalt  }
0x71: {  	_ =	shalt  }
0x72: {  	_ =	shalt  }
0x73: {  	_ =	shalt  }
0x74: {  	_ =	shalt  }
0x75: {  	_ =	shalt  }
0x76: {  	_ =	shalt  }
0x77: {  	_ =	shalt  }
0x78: {  	_ =	shalt  }
0x79: {  	_ =	shalt  }
0x7a: {  	_ =	shalt  }
0x7b: {  	_ =	shalt  }
0x7c: {  	_ =	shalt  }
0x7d: {  	_ =	shalt  }
0x7e: {  	_ =	shalt  }
0x7f: {  	_ =	shalt  }
0x80: {  	_ =	shalt  }
0x81: {  	_ =	shalt  }
0x82: {  	_ =	shalt  }
0x83: {  	_ =	shalt  }
0x84: {  	_ =	shalt  }
0x85: {  	_ =	shalt  }
0x86: {  	_ =	shalt  }
0x87: {  	_ =	shalt  }
.Lfunc_end0:
.L_simem_size_0:
called_computation_lowered:
.L_overlay_start_0:
0x88: {  	s2 =	sld [smem:$0x3FD9]  }
0x89: {  	s3 =	sld [smem:$0x3FFE];
	_ =	sdelay $0x1  }
0x8a: {  	s1 =	srdreg.scid  }
0x8b: {  	s0 =	sand.u32 $0x1, s1  }
0x8c: {  	s17 =	sshll.u32 s0, $0xA;
	s2 =	sadd.s32 s3, s2  }
0x8d: {  	s2 =	sadd.s32 s2, s17  }
0x8e: {  	[smem:$0x3FC3] =	sst s2  }
0x8f: {  	_ = 	snop  }
0x90: {  	s2 =	sld [smem:$0x3FD0];
	(tm) =	ssettm $0x1  }
0x91: {  	s18 =	sld [smem:$0x3FFB];
	_ =	sdelay $0x3  }
0x92: {  	_ =	strace s18  }
0x93: {  	s3 =	sld [smem:$0x3FFC];
	_ =	sdelay $0x3  }
0x94: {  	_ =	strace s3  }
0x95: {  	s3 =	sld [smem:$0x3FFD];
	_ =	sdelay $0x3  }
0x96: {  	_ =	strace s3  }
0x97: {  	_ =	strace $0x8FFFFFFF  }
0x98: {  	s19 =	sld [smem:$0x3FDB];
	_ =	sdelay $0x1  }
0x99: {  	s4 =	simm.s32 $_scs_section_size  }
0x9a: {  	s5 =	simm.s32 $_size__tile_overlayer_lowered;
	s6 =	simm.s32 $_tile_overlayer_lowered  }
0x9b: {  	s22 =	simm.s32 $0x1BFF;
	s21 =	sshll.u32 s6, $0x1;
	s3 =	sadd.s32 s4, s19  }
0x9c: {  	s7 =	simm.s32 $0x0;
	s20 =	sshll.u32 s5, $0x1;
	s5 =	sadd.s32 s21, s3  }
0x9d: {  	[timem:s7], [sflag:s22] =	dma.local [hbm:s5], s20  }
0x9e: {  	_ =	swait.ge [sflag:s22], s20  }
0x9f: {  	s4 =	ssub.s32 $0x0, s20;
	[sflag:s22] =	ssyncset.done $0x0  }
0xa0: {  	[sflag:s22] =	ssyncadd.s32 s4;
	_ =	sdelay $0x1  }
0xa1: {  	s23 =	simm.s32 $0x1B8B  }
0xa2: {  	_ =	swait.ge [sflag:s23], $0x1  }
0xa3: {  	[sflag:s23] =	ssyncset.done $0x0  }
0xa4: {  	s25 =	simm.s32 $0x1B8E;
	s24 =	sld [smem:$0x3FFE];
	[sflag:s23] =	ssyncadd.s32 $0xFFFFFFFF  }
0xa5: {  	s26 =	simm.s32 $execute0_lowered;
	[smem:$0x3FD2] =	sst s25  }
0xa6: {  	s5 =	sshll.u32 s26, $0x1;
	_ =	strace $0x80000046;
	[dreg:$0x1] =	wrdreg $0xFFFFFFFF  }
0xa7: {  	s28 =	simm.s32 $_size_execute0_lowered;
	s3 =	sadd.s32 s3, s5;
	[dreg:$0x0] =	wrdreg $0x0  }
0xa8: {  	s5 =	sshll.u32 s28, $0x1;
	[dreg:$0x2] =	wrdreg s3  }
0xa9: {  	[dreg:$0x3] =	wrdreg s5  }
0xaa: {  	[dreg:$0x4] =	wrdreg $0xC0  }
0xab: {  	_ =	task [dreg:s7], $0x5FFFF  }
0xac: {  	[dreg:$0x1] =	wrdreg $0xFFFFFFFF  }
0xad: {  	[dreg:$0x0] =	wrdreg $0x60  }
0xae: {  	[dreg:$0x2] =	wrdreg s24  }
0xaf: {  	[dreg:$0x3] =	wrdreg s2  }
0xb0: {  	[dreg:$0x4] =	wrdreg $0x9  }
0xb1: {  	_ =	task.clear_ibuf [dreg:s7], $0x5FFFF;
	_ =	strace $0x90000046  }
0xb2: {  	s29 =	simm.s32 $0x9;
	_ =	strace $0x80000048  }
0xb3: {  	_ =	swait.ge [sflag:s29], $0x1  }
0xb4: {  	[sflag:s29] =	ssyncadd.s32 $0xFFFFFFFF  }
0xb5: {  	_ =	strace $0x90000048  }
0xb6: {  	_ =	sfence  }
0xb7: {  	s30 =	sld [smem:$0x0];
	_ =	sdelay $0x2  }
0xb8: {  	s31 =	sshll.u32 s1, $0xD;
	s1 =	sshrl.u32 s1, $0x2  }
0xb9: {  	s3 =	sand.u32 $0x4000, s31;
	s1 =	sadd.s32 s1, s30  }
0xba: {  	s0 =	sor.u32 s3, s0;
	s1 =	sshll.u32 s1, $0x11  }
0xbb: {  	s0 =	sor.u32 s1, s0  }
0xbc: {  	s0 =	sadd.s32 $0x8F2B, s0  }
0xbd: {  	[sflag:s0] =	ssyncadd.remote.s32 $0x1  }
0xbe: {  	_ =	sfence.sel $0xFFFF  }
0xbf: {  	[dreg:$0x0] =	wrdreg $0xFFFFFFFF;
	(pc) =	sbr.abs _section_cstart, $3  }
0xc0: {  	[dreg:$0x1] =	wrdreg $0xFFFFFFFF  }
0xc1: {  	_ =	task.clear_ibuf [dreg:s7], $0x2FFFF;
	_ =	strace $0x9FFFFFFF  }
0xc2: {  	(tm) =	ssettm $0x7FFFFFFF  }
0xc3: {  	_ =	shalt  }
tec
execute0_lowered:
.L_overlay_start_1:
0x0: {  	(tag) =	ssettag $0x1  }
0x1: {  	s5 =	rddreg [dreg:$0x0];
	s0 =	srdreg.scid  }
0x2: {  	s2 =	rddreg [dreg:$0x1];
	s1 =	stileid.u32;
	s6 =	simm.s32 $0x1  }
0x3: {  	s9 =	simm.s32 $0x1;
	s10 =	simm.s32 $0x3;
	s3 =	sshll.u32 s0, $0x7  }
0x4: {  	s13 =	simm.s32 $0x0;
	s4 =	sshll.u32 s1, $0x8;
	s3 =	sand.u32 $0x80, s3  }
0x5: {  	s0 =	rddreg [dreg:$0x2];
	_ =	strace $0x80000047;
	s3 =	sor.u32 s4, s3  }
0x6: {  	s12 =	simm.s32 $0x0;
	[sflag:s6] =	ssyncpa.u1 $0x0;
	s8 =	ssub.s32 $0x10680, s3  }
.Ltmp0:
0x7: {  	s4 =	sadd.s32 $0x19E600, s5;
	s7 =	sand.u32 $0xF80, s8;
	(pc) =	sbr.rel .LBB2_1-.Ltmp0, $4  }
0x8: {  	s5 =	sadd.s32 $0x19C400, s5;
	s11 =	smov.u32 s3;
	p0 =	sne.s32 s7, $0x0  }
0x9: {  	s8 =	sshrl.u32 s8, $0xC;
	s7 =	simm.s32 $0x2;
	s9 =	simm.s32 @!p0 $0x0  }
0xa: {  	[sflag:s7] =	ssyncpa.u1 $0x0;
	p0 =	por $0x0, $0x0;
	s8 =	sadd.s32 s9, s8  }
0xb: {  	vm0 =	vmmov $0xffff;
	v0 =	vlaneseq.u32;
	[sflag:s10] =	ssyncpa.u1 $0x0;
	s10 =	simm.s32 $0x0;
	s9 =	sadd.s32 $0x1, s8  }
.LBB2_4:
0xc: {  	_ =	sdelay $0x3  }
0xd: {  	[tilespmem:s21], [sflag:$0x1] =	stream.indirect_vreg.gather [hbm4b:s4+s10], $0x1, v1, vm0, $0x4038;
	[tilespmem:$0x500] =	vst v63  }
0xe: {  	s15 =	sadd.s32 s17, s15  }
0xf: {  	v1 =	vld.msk [tilespmem:s15+$0x0 ss:$0x1], $0xffff;
	_ =	sdelay $0x4  }
0x10: {  	v2 =	vshrl.u32 v1, $0x4  }
0x11: {  	v3 =	vand.u32 $0xF, v1;
	vm1 =	veq.s32 v1, $0x80000000;
	v1 =	vand.u32 $0x7FFF, v2  }
0x12: {  	p1 =	sgt.s32 s18, $0x0;
	v2 =	vmul.u32 $0x11200, v3;
	v1 =	vsel vm1, $0xFFFFFFFF, v1  }
0x13: {  	s18 =	simm.s32 @!p1 $0x0;
	v3 =	vshll.u32 v1, $0x2  }
0x14: {  	s26 =	smin.u32 s18, $0x10;
	v2 =	vsel vm1, $0xFFFEEE00, v2;
	v3 =	vand.u32 $0xFFFFFE00, v3  }
0x15: {  	v1 =	vand.u32 $0x7F, v1;
	v2 =	vadd.s32 v2, v3;
	v3 =	vmov s26  }
0x16: {  	v1 =	vor.u32 v1, v2;
	vm1 =	vgt.u32 v3, v0  }
0x17: {  	v2 =	vnsel vm1, $0x7FFFFFFF, v1;
	_ =	sdelay $0x1  }
0x18: {  	v3 =	vor.u32 $0x80, v1  }
0x19: {  	(ifvalue) =	ssetifvalue $0x7FFFFFFF;
	v3 =	vnsel vm1, $0x7FFFFFFF, v3  }
0x1a: {  	s28 =	sadd.s32 s17, s16;
	(ifvalue) =	ssetifvalue $0x7FFFFFFF  }
0x1b: {  	v4 =	vor.u32 $0x100, v1;
	[tilespmem:s28], [sflag:$0x1] =	stream.indirect_vreg.gather [hbm4b:s4+s10], $0x1, v2, vm0, $0x4038;
	[tilespmem:$0x500] =	vst v63  }
0x1c: {  	(ifvalue) =	ssetifvalue $0x7FFFFFFF;
	v2 =	vnsel vm1, $0x7FFFFFFF, v4  }
0x1d: {  	s16 =	sadd.s32 $0x80, s28;
	(ifvalue) =	ssetifvalue $0x7FFFFFFF  }
0x1e: {  	v1 =	vor.u32 $0x180, v1;
	[tilespmem:s16], [sflag:$0x1] =	stream.indirect_vreg.gather [hbm4b:s4+s10], $0x1, v3, vm0, $0x4038;
	[tilespmem:$0x500] =	vst v63  }
0x1f: {  	v1 =	vnsel vm1, $0x7FFFFFFF, v1;
	(ifvalue) =	ssetifvalue $0x7FFFFFFF  }
0x20: {  	s29 =	sadd.s32 $0x100, s28;
	(ifvalue) =	ssetifvalue $0x7FFFFFFF  }
0x21: {  	[tilespmem:s29], [sflag:$0x1] =	stream.indirect_vreg.gather [hbm4b:s4+s10], $0x1, v2, vm0, $0x4038;
	[tilespmem:$0x500] =	vst v63  }
0x22: {  	(ifvalue) =	ssetifvalue $0x7FFFFFFF  }
0x23: {  	s30 =	sshll.u32 s13, $0x2;
	s15 =	sadd.s32 $0x180, s28;
	(ifvalue) =	ssetifvalue $0x7FFFFFFF  }
0x24: {  	[tilespmem:s15], [sflag:$0x1] =	stream.indirect_vreg.gather [hbm4b:s4+s10], $0x1, v1, vm0, $0x4038;
	[tilespmem:$0x500] =	vst v63  }
0x25: {  	s31 =	sand.u32 $0x78, s13;
	s15 =	sand.u32 $0xFFFFFE00, s30  }
0x26: {  	_ =	swait.ge [sflag:s6], $0x200;
	s13 =	sor.u32 s31, s15  }
0x27: {  	[sflag:s6] =	ssyncset.done $0x0;
	s13 =	sshrl.u32 s13, $0x3  }
0x28: {  	[sflag:s6] =	ssyncadd.s32 $0xFFFFFE00;
	s13 =	sadd.s32 s2, s13  }
0x29: {  	[hbm:s13] =	stream.linear.scatter [tilespmem:s14], [sflag:$0x3], $0x200, $0x38;
	[tilespmem:$0x500] =	vst v63  }
.LBB2_5:
0x2a: {  	s15 =	sadd.s32 $0x1000, s11  }
0x2b: {  	p2 =	sgt.s32 s15, $0x1067F  }
0x2c: {  	s15 =	smov.u32 @p2 s3;
	p2 =	sne.s32 s12, s9  }
.Ltmp1:
0x2d: {  	p1 =	slt.u32 s12, $0x2;
	(pc) =	sbr.rel @!p2 .LBB2_6-.Ltmp1, $4  }
0x2e: {  	s14 =	simm.s32 @!p1 $0x3  }
0x2f: {  	s16 =	sadd.s32 $0x1, s12;
	_ =	swait.ge @!p1 [sflag:s14], $0x200  }
0x30: {  	s13 =	smov.u32 s11;
	p0 =	por !p0, !p0;
	[sflag:s14] =	ssyncset.done @!p1 $0x0  }
0x31: {  	s12 =	smov.u32 s16;
	s11 =	smov.u32 s15;
	[sflag:s14] =	ssyncadd.s32 @!p1 $0xFFFFFE00  }
.LBB2_1:
0x32: {  	p1 =	sge.u32 s12, s8  }
0x33: {  	s14 =	sxor.u32 @!p1 $0xFFFFFFFF, s12  }
0x34: {  	s31 =	sadd.s32 $0xFFFFFFFF, s12;
	s15 =	sshrl.u32 @!p1 s11, $0x3;
	s14 =	sshll.u32 @!p1 s14, $0x7  }
0x35: {  	s16 =	sand.u32 @!p1 $0x7, s11;
	s15 =	sadd.s32 @!p1 s5, s15;
	s14 =	sand.u32 @!p1 $0x80, s14  }
0x36: {  	[tilespmem:s14], [sflag:$0x2] =	stream.linear.gather @!p1 [hbm4b:s15+s16], $0x80, $0x38;
	[tilespmem:$0x500] =	vst v63  }
0x37: {  	p1 =	sge.u32 s31, s8  }
.Ltmp2:
0x38: {  	_ = 	snop;
	(pc) =	sbr.rel @p1 .LBB2_5-.Ltmp2, $1  }
0x39: {  	_ =	sdelay $0x3  }
0x3a: {  	s14 =	simm.s32 $0x1  }
0x3b: {  	_ =	swait.ge [sflag:s7], $0x80;
	s14 =	simm.s32 @!p0 $0x0  }
0x3c: {  	[sflag:s7] =	ssyncset.done $0x0;
	s15 =	sshll.u32 s14, $0x7  }
0x3d: {  	[sflag:s7] =	ssyncadd.s32 $0xFFFFFF80;
	s16 =	sadd.s32 $0x0, s15  }
0x3e: {  	v1 =	vld.msk [tilespmem:s16+$0x0 ss:$0x1], $0xffff;
	_ =	sdelay $0x3  }
0x3f: {  	s18 =	ssub.s32 $0x10680, s13  }
0x40: {  	p1 =	slt.s32 s18, $0x80;
	v2 =	vshrl.u32 v1, $0x4  }
0x41: {  	s18 =	simm.s32 @!p1 $0x80;
	v3 =	vand.u32 $0xF, v1;
	vm1 =	veq.s32 v1, $0x80000000;
	v1 =	vand.u32 $0x7FFF, v2  }
0x42: {  	p1 =	sgt.s32 s18, $0x0;
	s16 =	smov.u32 s18;
	v2 =	vmul.u32 $0x11200, v3;
	v1 =	vsel vm1, $0xFFFFFFFF, v1  }
0x43: {  	s16 =	simm.s32 @!p1 $0x0;
	v3 =	vshll.u32 v1, $0x2  }
0x44: {  	s16 =	smin.u32 s16, $0x10;
	v2 =	vsel vm1, $0xFFFEEE00, v2;
	v3 =	vand.u32 $0xFFFFFE00, v3  }
0x45: {  	v1 =	vand.u32 $0x7F, v1;
	v2 =	vadd.s32 v2, v3;
	v3 =	vmov s16  }
0x46: {  	v1 =	vor.u32 v1, v2;
	vm1 =	vgt.u32 v3, v0  }
0x47: {  	v2 =	vnsel vm1, $0x7FFFFFFF, v1;
	_ =	sdelay $0x1  }
0x48: {  	s14 =	sshll.u32 s14, $0x9;
	v3 =	vor.u32 $0x80, v1  }
0x49: {  	(ifvalue) =	ssetifvalue $0x7FFFFFFF;
	s16 =	sor.u32 $0x100, s14;
	v3 =	vnsel vm1, $0x7FFFFFFF, v3  }
0x4a: {  	(ifvalue) =	ssetifvalue $0x7FFFFFFF;
	s19 =	sadd.s32 $0x0, s16  }
0x4b: {  	v4 =	vor.u32 $0x100, v1;
	[tilespmem:s19], [sflag:$0x1] =	stream.indirect_vreg.gather [hbm4b:s4+s10], $0x1, v2, vm0, $0x4038;
	[tilespmem:$0x500] =	vst v63  }
0x4c: {  	(ifvalue) =	ssetifvalue $0x7FFFFFFF;
	v2 =	vnsel vm1, $0x7FFFFFFF, v4  }
0x4d: {  	s17 =	sadd.s32 $0x80, s19;
	(ifvalue) =	ssetifvalue $0x7FFFFFFF  }
0x4e: {  	v1 =	vor.u32 $0x180, v1;
	[tilespmem:s17], [sflag:$0x1] =	stream.indirect_vreg.gather [hbm4b:s4+s10], $0x1, v3, vm0, $0x4038;
	[tilespmem:$0x500] =	vst v63  }
0x4f: {  	s30 =	sshll.u32 s12, $0x9;
	s20 =	simm.s32 $0x80;
	v1 =	vnsel vm1, $0x7FFFFFFF, v1;
	(ifvalue) =	ssetifvalue $0x7FFFFFFF  }
0x50: {  	s14 =	sand.u32 $0x200, s30;
	s31 =	sadd.s32 $0x100, s19;
	(ifvalue) =	ssetifvalue $0x7FFFFFFF  }
0x51: {  	[tilespmem:s31], [sflag:$0x1] =	stream.indirect_vreg.gather [hbm4b:s4+s10], $0x1, v2, vm0, $0x4038;
	[tilespmem:$0x500] =	vst v63  }
0x52: {  	s18 =	sadd.s32 $0xFFFFFFF0, s18;
	s14 =	sor.u32 $0x100, s14;
	(ifvalue) =	ssetifvalue $0x7FFFFFFF  }
0x53: {  	s21 =	sadd.s32 $0x180, s19;
	s17 =	simm.s32 $0x10;
	(ifvalue) =	ssetifvalue $0x7FFFFFFF  }
.LBB2_3:
0x54: {  	[tilespmem:s21], [sflag:$0x1] =	stream.indirect_vreg.gather [hbm4b:s4+s10], $0x1, v1, vm0, $0x4038;
	[tilespmem:$0x500] =	vst v63  }
0x55: {  	s19 =	smov.u32 s20  }
0x56: {  	s22 =	sadd.s32 s17, s15;
	s21 =	sshra.s32 s19, $0x2;
	s19 =	sadd.s32 $0x40, s20  }
0x57: {  	p1 =	sne.s32 s20, $0x1C0;
	v1 =	vld.msk [tilespmem:s22+$0x0 ss:$0x1], $0xffff  }
0x58: {  	(ifvalue) =	ssetifvalue $0x7FFFFFFF;
	_ =	sdelay $0x4  }
0x59: {  	v2 =	vand.u32 $0xF, v1;
	v3 =	vshrl.u32 v1, $0x4  }
0x5a: {  	vm1 =	veq.s32 v1, $0x80000000;
	v1 =	vand.u32 $0x7FFF, v3;
	v2 =	vmul.u32 $0x11200, v2  }
0x5b: {  	p2 =	sgt.s32 s18, $0x0;
	s20 =	smov.u32 s18;
	v1 =	vsel vm1, $0xFFFFFFFF, v1  }
0x5c: {  	s20 =	simm.s32 @!p2 $0x0;
	v2 =	vsel vm1, $0xFFFEEE00, v2;
	v3 =	vshll.u32 v1, $0x2  }
0x5d: {  	s20 =	smin.u32 s20, $0x10;
	v3 =	vand.u32 $0xFFFFFE00, v3  }
0x5e: {  	v1 =	vand.u32 $0x7F, v1;
	v2 =	vadd.s32 v2, v3;
	v3 =	vmov s20  }
0x5f: {  	v1 =	vor.u32 v1, v2;
	vm1 =	vgt.u32 v3, v0  }
0x60: {  	v2 =	vnsel vm1, $0x7FFFFFFF, v1;
	v3 =	vor.u32 $0x80, v1;
	v4 =	vor.u32 $0x100, v1  }
0x61: {  	v1 =	vor.u32 $0x180, v1;
	_ =	sdelay $0x1  }
0x62: {  	v3 =	vnsel vm1, $0x7FFFFFFF, v3  }
0x63: {  	s20 =	sadd.s32 s17, s16;
	s17 =	smov.u32 s21;
	(ifvalue) =	ssetifvalue $0x7FFFFFFF  }
0x64: {  	[tilespmem:s20], [sflag:$0x1] =	stream.indirect_vreg.gather [hbm4b:s4+s10], $0x1, v2, vm0, $0x4038;
	[tilespmem:$0x500] =	vst v63  }
0x65: {  	v2 =	vnsel vm1, $0x7FFFFFFF, v4;
	(ifvalue) =	ssetifvalue $0x7FFFFFFF  }
0x66: {  	s21 =	sadd.s32 $0x80, s20;
	(ifvalue) =	ssetifvalue $0x7FFFFFFF  }
0x67: {  	[tilespmem:s21], [sflag:$0x1] =	stream.indirect_vreg.gather [hbm4b:s4+s10], $0x1, v3, vm0, $0x4038;
	[tilespmem:$0x500] =	vst v63  }
.Ltmp3:
0x68: {  	v1 =	vnsel vm1, $0x7FFFFFFF, v1;
	(ifvalue) =	ssetifvalue $0x7FFFFFFF;
	(pc) =	sbr.rel @p1 .LBB2_3-.Ltmp3, $4  }
0x69: {  	s21 =	sadd.s32 $0x100, s20;
	(ifvalue) =	ssetifvalue $0x7FFFFFFF  }
0x6a: {  	[tilespmem:s21], [sflag:$0x1] =	stream.indirect_vreg.gather [hbm4b:s4+s10], $0x1, v2, vm0, $0x4038;
	[tilespmem:$0x500] =	vst v63  }
0x6b: {  	s18 =	sadd.s32 $0xFFFFFFF0, s18;
	(ifvalue) =	ssetifvalue $0x7FFFFFFF  }
0x6c: {  	s21 =	sadd.s32 $0x180, s20;
	s20 =	smov.u32 s19;
	(ifvalue) =	ssetifvalue $0x7FFFFFFF  }
.Ltmp4:
0x6d: {  	_ = 	snop;
	(pc) =	sbr.rel .LBB2_4-.Ltmp4, $1  }
0x6e: {  	_ =	sdelay $0x3  }
.LBB2_6:
0x6f: {  	_ =	sfence.sel $0x180000  }
0x70: {  	s2 =	simm.s32 $0x2;
	[bflag:$0x0] =	sbarrier.arrive $0xFFFF  }
0x71: {  	s30 =	simm.s32 $0x3;
	[sflag:s2] =	ssyncpa.u1 $0x1  }
0x72: {  	s31 =	simm.s32 $0x1;
	[sflag:s30] =	ssyncpa.u1 $0x1  }
0x73: {  	[sflag:s31] =	ssyncpa.u1 $0x1  }
0x74: {  	p0 =	sne.s32 s1, $0x0;
	_ =	strace $0x90000047  }
0x75: {  	s0 =	sadd.s32 @!p0 $0x100000, s0;
	[bflag:$0x2] =	sbarrier.arrive $0xFFFF  }
0x76: {  	[sflag:s0] =	ssyncadd.tile.s32 @!p0 $0x1;
	_ =	shalt  }
.Lfunc_end2:
_tile_overlayer_lowered:
.L_overlay_start_2:
0x77: {  	(tag) =	ssettag $0x2  }
0x78: {  	s0 =	rddreg [dreg:$0x0];
	s2 =	stileid.u32  }
0x79: {  	s1 =	rddreg [dreg:$0x1];
	p0 =	sne.s32 s2, $0x0  }
0x7a: {  	s3 =	rddreg [dreg:$0x2];
	[bflag:$0x3] =	sbarrier.arrive $0xFFFF;
	s2 =	simm.s32 @!p0 $0x1C01  }
0x7b: {  	[timem:s3], [sflag:s2] =	dma.local @!p0 [hbm:s0], s1  }
0x7c: {  	s0 =	simm.s32 @!p0 $0x1  }
0x7d: {  	_ =	swait.ge @!p0 [sflag:s0], s1  }
0x7e: {  	s1 =	ssub.s32 @!p0 $0x0, s1;
	[sflag:s0] =	ssyncset.done @!p0 $0x0  }
0x7f: {  	[sflag:s0] =	ssyncadd.s32 @!p0 s1  }
0x80: {  	[bflag:$0x3] =	sbarrier.arrive $0xFFFF  }
0x81: {  	_ =	shalt  }

</sc_bundles>
